<compile_context>
chip_gen: v7x
topology: tpu7x:2x2x1
jax: 0.10.2.dev20260603
libtpu: 0.0.44.dev20260713+nightly
codegen_flags: <defaults>
</compile_context>

<pallas_src>
import jax
import jax.numpy as jnp
from jax import lax
from jax.experimental import pallas as pl
from jax.experimental.pallas import tpu as pltpu
from jax.experimental.pallas import tpu_sc as plsc

BATCH = 4096
HIST = 50
EMBED = 64
NP = 100000
B = BATCH * HIST
ROW = 128
NROWS = B // ROW
ROWS_PER_H = BATCH // ROW
NUM_CORES = 2
NUM_SUBCORES = 16
NUM_WORKERS = NUM_CORES * NUM_SUBCORES
ROWS_PER_W = NROWS // NUM_WORKERS
TPAD = 2 * EMBED
PITCH = ROW + 1


def _gather_body(table_hbm, idx_hbm, out_hbm,
                 idx_all, rows0, rows1, tb0, tb1,
                 gsem0, gsem1, wsem0, wsem1):
    wid = lax.axis_index("s") * NUM_CORES + lax.axis_index("c")
    r0 = wid * ROWS_PER_W
    bufs = ((rows0, tb0, gsem0, wsem0), (rows1, tb1, gsem1, wsem1))

    pltpu.sync_copy(idx_hbm.at[pl.ds(r0, ROWS_PER_W)], idx_all)

    def stage(i_local, b):
        rows_v, _, gsem, _ = bufs[b]
        pltpu.async_copy(table_hbm.at[idx_all.at[i_local]], rows_v, gsem)

    iota = lax.iota(jnp.int32, 16)
    dvecs = tuple(iota + 16 * k for k in range(EMBED // 16))

    def wb_descs(i_local, b):
        _, tbuf, _, wsem = bufs[b]
        r = r0 + i_local
        h = r // ROWS_PER_H
        c = r % ROWS_PER_H
        return [(tbuf.at[pl.ds(8 * t, 8), pl.ds(0, ROW)],
                 out_hbm.at[h, t, c], wsem) for t in range(EMBED // 8)]

    def drain_wb(i_local, b):
        for src, dst, wsem in wb_descs(i_local, b):
            pltpu.make_async_copy(src, dst, wsem).wait()

    def finish(i_local, b):
        rows_v, tbuf, gsem, wsem = bufs[b]
        pltpu.make_async_copy(
            table_hbm.at[idx_all.at[i_local]], rows_v, gsem).wait()

        @pl.when(i_local >= 2)
        def _():
            drain_wb(i_local, b)

        @plsc.parallel_loop(0, ROW, step=1, unroll=4)
        def _(l):
            lsplat = jnp.full((16,), l, jnp.int32)
            for k in range(EMBED // 16):
                v = rows_v[l, pl.ds(16 * k, 16)]
                plsc.store_scatter(tbuf, [dvecs[k], lsplat], v)

        for src, dst, wsem_ in wb_descs(i_local, b):
            pltpu.async_copy(src, dst, wsem_)

    stage(0, 0)

    def body(i, carry):
        il = 2 * i
        stage(il + 1, 1)
        finish(il, 0)

        @pl.when(i < ROWS_PER_W // 2 - 1)
        def _():
            stage(il + 2, 0)

        finish(il + 1, 1)
        return carry

    lax.fori_loop(0, ROWS_PER_W // 2, body, 0)
    drain_wb(ROWS_PER_W - 2, 0)
    drain_wb(ROWS_PER_W - 1, 1)


@jax.jit
def kernel(x, table):
    idxT = (x.T.reshape(NROWS, ROW) * 2).astype(jnp.int32)
    tp = jnp.pad(table, ((0, 0), (0, TPAD - EMBED))).reshape(2 * NP, EMBED)
    mesh = plsc.VectorSubcoreMesh(core_axis_name="c", subcore_axis_name="s")
    out5d = pl.kernel(
        _gather_body,
        mesh=mesh,
        out_type=jax.ShapeDtypeStruct(
            (HIST, EMBED // 8, ROWS_PER_H, 8, ROW), jnp.float32),
        scratch_types=[
            pltpu.VMEM((ROWS_PER_W, ROW), jnp.int32),
            pltpu.VMEM((ROW, EMBED), jnp.float32),
            pltpu.VMEM((ROW, EMBED), jnp.float32),
            pltpu.VMEM((EMBED, PITCH), jnp.float32),
            pltpu.VMEM((EMBED, PITCH), jnp.float32),
            pltpu.SemaphoreType.DMA,
            pltpu.SemaphoreType.DMA,
            pltpu.SemaphoreType.DMA,
            pltpu.SemaphoreType.DMA,
        ],
        compiler_params=pltpu.CompilerParams(
            use_tc_tiling_on_sc=False, needs_layout_passes=False),
    )(tp, idxT)
    return out5d.transpose(2, 4, 0, 1, 3).reshape(BATCH, HIST, EMBED)

# --- scband reference (transcript-rebuilt; emitter-appended) ---
"""Pipeline reference for scband-item-model-58128087384250 (READ-ONLY COPY).

The authoritative reference and input builder live on the scoring server;
editing this copy changes nothing except your own understanding.
"""

import jax, jax.numpy as jnp
import numpy as np

NUM_PRODUCTS = 100000
EMBED_DIM = 64
BATCH = 4096
HIST = 50

def setup_inputs(seed: int = 0) -> dict:
    key = jax.random.key(seed)
    k1, k2 = jax.random.split(key)
    x = jax.random.randint(k1, (BATCH, HIST), 0, NUM_PRODUCTS, dtype=jnp.int64 if jax.config.jax_enable_x64 else jnp.int32)
    table = jax.random.normal(k2, (NUM_PRODUCTS, EMBED_DIM), dtype=jnp.float32)
    return {"x": x, "table": table}

def reference(x, table):
    # nn.Embedding forward: gather rows of the embedding table
    return jnp.take(table, x, axis=0)

if __name__ == "__main__":
    import jax
    _d = setup_inputs()
    print(jax.jit(kernel)(*tuple(_d.values())))

</pallas_src>

<mosaic_0001>
#map = affine_map<(d0, d1) -> (0, 0)>
#map1 = affine_map<(d0, d1) -> (0, 0, 0, 0, 0)>
module attributes {stable_mosaic.version = 14 : i64} {
  func.func @_gather_body(%arg0: i32, %arg1: i32, %arg2: memref<200000x64xf32, #tpu.memory_space<hbm>>, %arg3: memref<1600x128xi32, #tpu.memory_space<hbm>>, %arg4: memref<50x8x32x8x128xf32, #tpu.memory_space<hbm>>, %arg5: memref<50x128xi32, #tpu.memory_space<vmem>>, %arg6: memref<128x64xf32, #tpu.memory_space<vmem>>, %arg7: memref<128x64xf32, #tpu.memory_space<vmem>>, %arg8: memref<64x129xf32, #tpu.memory_space<vmem>>, %arg9: memref<64x129xf32, #tpu.memory_space<vmem>>, %arg10: memref<!tpu.dma_semaphore, #tpu.memory_space<semaphore_mem>>, %arg11: memref<!tpu.dma_semaphore, #tpu.memory_space<semaphore_mem>>, %arg12: memref<!tpu.dma_semaphore, #tpu.memory_space<semaphore_mem>>, %arg13: memref<!tpu.dma_semaphore, #tpu.memory_space<semaphore_mem>>) attributes {dimension_semantics = [#tpu.dimension_semantics<core_parallel>, #tpu.dimension_semantics<subcore_parallel>], iteration_bounds = array<i64: 2, 16>, scalar_prefetch = 0 : i64, scratch_operands = 9 : i64, tpu.core_type = #tpu.core_type<sc_vector_subcore>, window_params = [{transform_indices = #map}, {transform_indices = #map}, {transform_indices = #map1}]} {
    %mul3A = arith.constant 2 : i32
    %mul3A_0 = arith.muli %arg1, %mul3A : i32
    %add3A = arith.addi %mul3A_0, %arg0 : i32
    %mul3A_1 = arith.constant 50 : i32
    %mul3A_2 = arith.muli %add3A, %mul3A_1 : i32
    "tpu.region"() ({
      %run_scoped3A = tpu.sem_alloc : memref<!tpu.dma_semaphore, #tpu.memory_space<semaphore_mem>>
      %dma_start3A_339 = arith.constant 0 : i32
      %dma_start3A_340 = tpu.memref_slice %arg3[%mul3A_2, %dma_start3A_339] : memref<1600x128xi32, #tpu.memory_space<hbm>> -> memref<50x128xi32, #tpu.memory_space<hbm>>
      %dma_start3A_341 = arith.constant 0 : i32
      %dma_start3A_342 = tpu.memref_slice %arg3[%mul3A_2, %dma_start3A_341] : memref<1600x128xi32, #tpu.memory_space<hbm>> -> memref<50x128xi32, #tpu.memory_space<hbm>>
      tpu.enqueue_dma source(%dma_start3A_342 : memref<50x128xi32, #tpu.memory_space<hbm>>) target(%arg5 : memref<50x128xi32, #tpu.memory_space<vmem>>) target_semaphore(%run_scoped3A : memref<!tpu.dma_semaphore, #tpu.memory_space<semaphore_mem>>)
      %dma_wait3A_343 = arith.constant 0 : i32
      %dma_wait3A_344 = tpu.memref_slice %arg3[%mul3A_2, %dma_wait3A_343] : memref<1600x128xi32, #tpu.memory_space<hbm>> -> memref<50x128xi32, #tpu.memory_space<hbm>>
      %dma_wait3A_345 = arith.constant 0 : i32
      %dma_wait3A_346 = tpu.memref_slice %arg3[%mul3A_2, %dma_wait3A_345] : memref<1600x128xi32, #tpu.memory_space<hbm>> -> memref<50x128xi32, #tpu.memory_space<hbm>>
      tpu.wait_dma2 semaphore(%run_scoped3A : memref<!tpu.dma_semaphore, #tpu.memory_space<semaphore_mem>>) src(%dma_wait3A_346 : memref<50x128xi32, #tpu.memory_space<hbm>>) dst(%arg5 : memref<50x128xi32, #tpu.memory_space<vmem>>)
      tpu.yield
    }) : () -> ()
    %iota3A = tpu.iota {dimensions = array<i32: 0>} : vector<16xi32>
    %add3A_3 = arith.constant 0 : i32
    %add3A_4 = vector.broadcast %add3A_3 : i32 to vector<16xi32>
    %add3A_5 = arith.addi %iota3A, %add3A_4 : vector<16xi32>
    %add3A_6 = arith.constant 16 : i32
    %add3A_7 = vector.broadcast %add3A_6 : i32 to vector<16xi32>
    %add3A_8 = arith.addi %iota3A, %add3A_7 : vector<16xi32>
    %add3A_9 = arith.constant 32 : i32
    %add3A_10 = vector.broadcast %add3A_9 : i32 to vector<16xi32>
    %add3A_11 = arith.addi %iota3A, %add3A_10 : vector<16xi32>
    %add3A_12 = arith.constant 48 : i32
    %add3A_13 = vector.broadcast %add3A_12 : i32 to vector<16xi32>
    %add3A_14 = arith.addi %iota3A, %add3A_13 : vector<16xi32>
    %dma_start3A = arith.constant 0 : i32
    %dma_start3A_15 = arith.constant 0 : i32
    %dma_start3A_16 = tpu.memref_slice %arg5[%dma_start3A, %dma_start3A_15] : memref<50x128xi32, #tpu.memory_space<vmem>> -> memref<1x128xi32, #tpu.memory_space<vmem>>
    %dma_start3A_17 = tpu.memref_squeeze %dma_start3A_16 : memref<1x128xi32, #tpu.memory_space<vmem>> -> memref<128xi32, #tpu.memory_space<vmem>>
    %dma_start3A_18 = arith.constant 0 : i32
    %dma_start3A_19 = arith.constant 0 : i32
    %dma_start3A_20 = tpu.memref_slice %arg2[%dma_start3A_18, %dma_start3A_19] : memref<200000x64xf32, #tpu.memory_space<hbm>> -> memref<200000x64xf32, #tpu.memory_space<hbm>>
    tpu.enqueue_indirect_dma source(%dma_start3A_20 : memref<200000x64xf32, #tpu.memory_space<hbm>>) target(%arg6 : memref<128x64xf32, #tpu.memory_space<vmem>>) offsets(%dma_start3A_17 : memref<128xi32, #tpu.memory_space<vmem>>) semaphore(%arg10 : memref<!tpu.dma_semaphore, #tpu.memory_space<semaphore_mem>>)
    %scan3A = arith.constant 0 : i32
    %scan3A_21 = arith.constant 0 : i32
    %scan3A_22 = arith.constant 25 : i32
    %scan3A_23 = arith.addi %scan3A_21, %scan3A_22 : i32
    %scan3A_24 = arith.constant 1 : i32
    scf.for %scan3A_339 = %scan3A_21 to %scan3A_23 step %scan3A_24  : i32 {
      %mul3A_340 = arith.constant 2 : i32
      %mul3A_341 = arith.muli %mul3A_340, %scan3A_339 : i32
      %add3A_342 = arith.constant 1 : i32
      %add3A_343 = arith.addi %mul3A_341, %add3A_342 : i32
      %dma_start3A_344 = arith.constant 0 : i32
      %dma_start3A_345 = tpu.memref_slice %arg5[%add3A_343, %dma_start3A_344] : memref<50x128xi32, #tpu.memory_space<vmem>> -> memref<1x128xi32, #tpu.memory_space<vmem>>
      %dma_start3A_346 = tpu.memref_squeeze %dma_start3A_345 : memref<1x128xi32, #tpu.memory_space<vmem>> -> memref<128xi32, #tpu.memory_space<vmem>>
      %dma_start3A_347 = arith.constant 0 : i32
      %dma_start3A_348 = arith.constant 0 : i32
      %dma_start3A_349 = tpu.memref_slice %arg2[%dma_start3A_347, %dma_start3A_348] : memref<200000x64xf32, #tpu.memory_space<hbm>> -> memref<200000x64xf32, #tpu.memory_space<hbm>>
      tpu.enqueue_indirect_dma source(%dma_start3A_349 : memref<200000x64xf32, #tpu.memory_space<hbm>>) target(%arg7 : memref<128x64xf32, #tpu.memory_space<vmem>>) offsets(%dma_start3A_346 : memref<128xi32, #tpu.memory_space<vmem>>) semaphore(%arg11 : memref<!tpu.dma_semaphore, #tpu.memory_space<semaphore_mem>>)
      %dma_wait3A_350 = arith.constant 0 : i32
      %dma_wait3A_351 = tpu.memref_slice %arg5[%mul3A_341, %dma_wait3A_350] : memref<50x128xi32, #tpu.memory_space<vmem>> -> memref<1x128xi32, #tpu.memory_space<vmem>>
      %dma_wait3A_352 = tpu.memref_squeeze %dma_wait3A_351 : memref<1x128xi32, #tpu.memory_space<vmem>> -> memref<128xi32, #tpu.memory_space<vmem>>
      %dma_wait3A_353 = arith.constant 0 : i32
      %dma_wait3A_354 = arith.constant 0 : i32
      %dma_wait3A_355 = tpu.memref_slice %arg2[%dma_wait3A_353, %dma_wait3A_354] : memref<200000x64xf32, #tpu.memory_space<hbm>> -> memref<200000x64xf32, #tpu.memory_space<hbm>>
      tpu.wait_indirect_dma semaphore(%arg10 : memref<!tpu.dma_semaphore, #tpu.memory_space<semaphore_mem>>) src(%dma_wait3A_355 : memref<200000x64xf32, #tpu.memory_space<hbm>>) dst(%arg6 : memref<128x64xf32, #tpu.memory_space<vmem>>)
      %ge3A = arith.constant 2 : i32
      %ge3A_356 = arith.cmpi sge, %mul3A_341, %ge3A : i32
      %convert_element_type3A = arith.extui %ge3A_356 : i1 to i32
      %cond3A = arith.constant 0 : i32
      %cond3A_357 = arith.cmpi ne, %convert_element_type3A, %cond3A : i32
      scf.if %cond3A_357 {
        %add3A_703 = arith.addi %mul3A_2, %mul3A_341 : i32
        %jit3A_704 = arith.constant 32 : i32
        %div3A_705 = arith.divsi %add3A_703, %jit3A_704 : i32
        %sign3A_706 = arith.constant 0 : i32
        %sign3A_707 = arith.cmpi sgt, %add3A_703, %sign3A_706 : i32
        %sign3A_708 = arith.extui %sign3A_707 : i1 to i32
        %sign3A_709 = arith.constant 0 : i32
        %sign3A_710 = arith.cmpi slt, %add3A_703, %sign3A_709 : i32
        %sign3A_711 = arith.extui %sign3A_710 : i1 to i32
        %sign3A_712 = arith.subi %sign3A_708, %sign3A_711 : i32
        %sign3A_713 = arith.constant 0 : i32
        %sign3A_714 = arith.cmpi sgt, %jit3A_704, %sign3A_713 : i32
        %sign3A_715 = arith.extui %sign3A_714 : i1 to i32
        %sign3A_716 = arith.constant 0 : i32
        %sign3A_717 = arith.cmpi slt, %jit3A_704, %sign3A_716 : i32
        %sign3A_718 = arith.extui %sign3A_717 : i1 to i32
        %sign3A_719 = arith.subi %sign3A_715, %sign3A_718 : i32
        %ne3A_720 = arith.cmpi ne, %sign3A_712, %sign3A_719 : i32
        %rem3A_721 = arith.remsi %add3A_703, %jit3A_704 : i32
        %ne3A_722 = arith.constant 0 : i32
        %ne3A_723 = arith.cmpi ne, %rem3A_721, %ne3A_722 : i32
        %and3A_724 = arith.andi %ne3A_720, %ne3A_723 : i1
        %sub3A_725 = arith.constant 1 : i32
        %sub3A_726 = arith.subi %div3A_705, %sub3A_725 : i32
        %select_n3A_727 = arith.select %and3A_724, %sub3A_726, %div3A_705 : i32
        %jit3A_728 = arith.constant 32 : i32
        %eq3A_729 = arith.constant 0 : i32
        %eq3A_730 = arith.cmpi eq, %jit3A_728, %eq3A_729 : i32
        %jit3A_731 = arith.constant 1 : i32
        %select_n3A_732 = arith.select %eq3A_730, %jit3A_731, %jit3A_728 : i32
        %rem3A_733 = arith.remsi %add3A_703, %select_n3A_732 : i32
        %ne3A_734 = arith.constant 0 : i32
        %ne3A_735 = arith.cmpi ne, %rem3A_733, %ne3A_734 : i32
        %lt3A_736 = arith.constant 0 : i32
        %lt3A_737 = arith.cmpi slt, %rem3A_733, %lt3A_736 : i32
        %lt3A_738 = arith.constant 0 : i32
        %lt3A_739 = arith.cmpi slt, %select_n3A_732, %lt3A_738 : i32
        %ne3A_740 = arith.xori %lt3A_737, %lt3A_739 : i1
        %and3A_741 = arith.andi %ne3A_740, %ne3A_735 : i1
        %add3A_742 = arith.addi %rem3A_733, %select_n3A_732 : i32
        %select_n3A_743 = arith.select %and3A_741, %add3A_742, %rem3A_733 : i32
        %dma_wait3A_744 = arith.constant 0 : i32
        %dma_wait3A_745 = arith.constant 0 : i32
        %dma_wait3A_746 = arith.constant 0 : i32
        %dma_wait3A_747 = tpu.memref_slice %arg8[%dma_wait3A_745, %dma_wait3A_746] : memref<64x129xf32, #tpu.memory_space<vmem>> -> memref<8x128xf32, #tpu.memory_space<vmem>>
        %dma_wait3A_748 = arith.constant 0 : i32
        %dma_wait3A_749 = arith.constant 0 : i32
        %dma_wait3A_750 = tpu.memref_slice %arg4[%select_n3A_727, %dma_wait3A_744, %select_n3A_743, %dma_wait3A_748, %dma_wait3A_749] : memref<50x8x32x8x128xf32, #tpu.memory_space<hbm>> -> memref<1x1x1x8x128xf32, #tpu.memory_space<hbm>>
        %dma_wait3A_751 = tpu.memref_squeeze %dma_wait3A_750 : memref<1x1x1x8x128xf32, #tpu.memory_space<hbm>> -> memref<8x128xf32, #tpu.memory_space<hbm>>
        %dma_wait3A_752 = arith.constant 0 : i32
        %dma_wait3A_753 = arith.constant 0 : i32
        %dma_wait3A_754 = tpu.memref_slice %arg4[%select_n3A_727, %dma_wait3A_744, %select_n3A_743, %dma_wait3A_752, %dma_wait3A_753] : memref<50x8x32x8x128xf32, #tpu.memory_space<hbm>> -> memref<1x1x1x8x128xf32, #tpu.memory_space<hbm>>
        %dma_wait3A_755 = tpu.memref_squeeze %dma_wait3A_754 : memref<1x1x1x8x128xf32, #tpu.memory_space<hbm>> -> memref<8x128xf32, #tpu.memory_space<hbm>>
        %dma_wait3A_756 = arith.constant 0 : i32
        %dma_wait3A_757 = arith.constant 0 : i32
        %dma_wait3A_758 = tpu.memref_slice %arg8[%dma_wait3A_756, %dma_wait3A_757] : memref<64x129xf32, #tpu.memory_space<vmem>> -> memref<8x128xf32, #tpu.memory_space<vmem>>
        tpu.wait_dma2 semaphore(%arg12 : memref<!tpu.dma_semaphore, #tpu.memory_space<semaphore_mem>>) src(%dma_wait3A_758 : memref<8x128xf32, #tpu.memory_space<vmem>>) dst(%dma_wait3A_755 : memref<8x128xf32, #tpu.memory_space<hbm>>)
        %dma_wait3A_759 = arith.constant 1 : i32
        %dma_wait3A_760 = arith.constant 8 : i32
        %dma_wait3A_761 = arith.constant 0 : i32
        %dma_wait3A_762 = tpu.memref_slice %arg8[%dma_wait3A_760, %dma_wait3A_761] : memref<64x129xf32, #tpu.memory_space<vmem>> -> memref<8x128xf32, #tpu.memory_space<vmem>>
        %dma_wait3A_763 = arith.constant 0 : i32
        %dma_wait3A_764 = arith.constant 0 : i32
        %dma_wait3A_765 = tpu.memref_slice %arg4[%select_n3A_727, %dma_wait3A_759, %select_n3A_743, %dma_wait3A_763, %dma_wait3A_764] : memref<50x8x32x8x128xf32, #tpu.memory_space<hbm>> -> memref<1x1x1x8x128xf32, #tpu.memory_space<hbm>>
        %dma_wait3A_766 = tpu.memref_squeeze %dma_wait3A_765 : memref<1x1x1x8x128xf32, #tpu.memory_space<hbm>> -> memref<8x128xf32, #tpu.memory_space<hbm>>
        %dma_wait3A_767 = arith.constant 0 : i32
        %dma_wait3A_768 = arith.constant 0 : i32
        %dma_wait3A_769 = tpu.memref_slice %arg4[%select_n3A_727, %dma_wait3A_759, %select_n3A_743, %dma_wait3A_767, %dma_wait3A_768] : memref<50x8x32x8x128xf32, #tpu.memory_space<hbm>> -> memref<1x1x1x8x128xf32, #tpu.memory_space<hbm>>
        %dma_wait3A_770 = tpu.memref_squeeze %dma_wait3A_769 : memref<1x1x1x8x128xf32, #tpu.memory_space<hbm>> -> memref<8x128xf32, #tpu.memory_space<hbm>>
        %dma_wait3A_771 = arith.constant 8 : i32
        %dma_wait3A_772 = arith.constant 0 : i32
        %dma_wait3A_773 = tpu.memref_slice %arg8[%dma_wait3A_771, %dma_wait3A_772] : memref<64x129xf32, #tpu.memory_space<vmem>> -> memref<8x128xf32, #tpu.memory_space<vmem>>
        tpu.wait_dma2 semaphore(%arg12 : memref<!tpu.dma_semaphore, #tpu.memory_space<semaphore_mem>>) src(%dma_wait3A_773 : memref<8x128xf32, #tpu.memory_space<vmem>>) dst(%dma_wait3A_770 : memref<8x128xf32, #tpu.memory_space<hbm>>)
        %dma_wait3A_774 = arith.constant 2 : i32
        %dma_wait3A_775 = arith.constant 16 : i32
        %dma_wait3A_776 = arith.constant 0 : i32
        %dma_wait3A_777 = tpu.memref_slice %arg8[%dma_wait3A_775, %dma_wait3A_776] : memref<64x129xf32, #tpu.memory_space<vmem>> -> memref<8x128xf32, #tpu.memory_space<vmem>>
        %dma_wait3A_778 = arith.constant 0 : i32
        %dma_wait3A_779 = arith.constant 0 : i32
        %dma_wait3A_780 = tpu.memref_slice %arg4[%select_n3A_727, %dma_wait3A_774, %select_n3A_743, %dma_wait3A_778, %dma_wait3A_779] : memref<50x8x32x8x128xf32, #tpu.memory_space<hbm>> -> memref<1x1x1x8x128xf32, #tpu.memory_space<hbm>>
        %dma_wait3A_781 = tpu.memref_squeeze %dma_wait3A_780 : memref<1x1x1x8x128xf32, #tpu.memory_space<hbm>> -> memref<8x128xf32, #tpu.memory_space<hbm>>
        %dma_wait3A_782 = arith.constant 0 : i32
        %dma_wait3A_783 = arith.constant 0 : i32
        %dma_wait3A_784 = tpu.memref_slice %arg4[%select_n3A_727, %dma_wait3A_774, %select_n3A_743, %dma_wait3A_782, %dma_wait3A_783] : memref<50x8x32x8x128xf32, #tpu.memory_space<hbm>> -> memref<1x1x1x8x128xf32, #tpu.memory_space<hbm>>
        %dma_wait3A_785 = tpu.memref_squeeze %dma_wait3A_784 : memref<1x1x1x8x128xf32, #tpu.memory_space<hbm>> -> memref<8x128xf32, #tpu.memory_space<hbm>>
        %dma_wait3A_786 = arith.constant 16 : i32
        %dma_wait3A_787 = arith.constant 0 : i32
        %dma_wait3A_788 = tpu.memref_slice %arg8[%dma_wait3A_786, %dma_wait3A_787] : memref<64x129xf32, #tpu.memory_space<vmem>> -> memref<8x128xf32, #tpu.memory_space<vmem>>
        tpu.wait_dma2 semaphore(%arg12 : memref<!tpu.dma_semaphore, #tpu.memory_space<semaphore_mem>>) src(%dma_wait3A_788 : memref<8x128xf32, #tpu.memory_space<vmem>>) dst(%dma_wait3A_785 : memref<8x128xf32, #tpu.memory_space<hbm>>)
        %dma_wait3A_789 = arith.constant 3 : i32
        %dma_wait3A_790 = arith.constant 24 : i32
        %dma_wait3A_791 = arith.constant 0 : i32
        %dma_wait3A_792 = tpu.memref_slice %arg8[%dma_wait3A_790, %dma_wait3A_791] : memref<64x129xf32, #tpu.memory_space<vmem>> -> memref<8x128xf32, #tpu.memory_space<vmem>>
        %dma_wait3A_793 = arith.constant 0 : i32
        %dma_wait3A_794 = arith.constant 0 : i32
        %dma_wait3A_795 = tpu.memref_slice %arg4[%select_n3A_727, %dma_wait3A_789, %select_n3A_743, %dma_wait3A_793, %dma_wait3A_794] : memref<50x8x32x8x128xf32, #tpu.memory_space<hbm>> -> memref<1x1x1x8x128xf32, #tpu.memory_space<hbm>>
        %dma_wait3A_796 = tpu.memref_squeeze %dma_wait3A_795 : memref<1x1x1x8x128xf32, #tpu.memory_space<hbm>> -> memref<8x128xf32, #tpu.memory_space<hbm>>
        %dma_wait3A_797 = arith.constant 0 : i32
        %dma_wait3A_798 = arith.constant 0 : i32
        %dma_wait3A_799 = tpu.memref_slice %arg4[%select_n3A_727, %dma_wait3A_789, %select_n3A_743, %dma_wait3A_797, %dma_wait3A_798] : memref<50x8x32x8x128xf32, #tpu.memory_space<hbm>> -> memref<1x1x1x8x128xf32, #tpu.memory_space<hbm>>
        %dma_wait3A_800 = tpu.memref_squeeze %dma_wait3A_799 : memref<1x1x1x8x128xf32, #tpu.memory_space<hbm>> -> memref<8x128xf32, #tpu.memory_space<hbm>>
        %dma_wait3A_801 = arith.constant 24 : i32
        %dma_wait3A_802 = arith.constant 0 : i32
        %dma_wait3A_803 = tpu.memref_slice %arg8[%dma_wait3A_801, %dma_wait3A_802] : memref<64x129xf32, #tpu.memory_space<vmem>> -> memref<8x128xf32, #tpu.memory_space<vmem>>
        tpu.wait_dma2 semaphore(%arg12 : memref<!tpu.dma_semaphore, #tpu.memory_space<semaphore_mem>>) src(%dma_wait3A_803 : memref<8x128xf32, #tpu.memory_space<vmem>>) dst(%dma_wait3A_800 : memref<8x128xf32, #tpu.memory_space<hbm>>)
        %dma_wait3A_804 = arith.constant 4 : i32
        %dma_wait3A_805 = arith.constant 32 : i32
        %dma_wait3A_806 = arith.constant 0 : i32
        %dma_wait3A_807 = tpu.memref_slice %arg8[%dma_wait3A_805, %dma_wait3A_806] : memref<64x129xf32, #tpu.memory_space<vmem>> -> memref<8x128xf32, #tpu.memory_space<vmem>>
        %dma_wait3A_808 = arith.constant 0 : i32
        %dma_wait3A_809 = arith.constant 0 : i32
        %dma_wait3A_810 = tpu.memref_slice %arg4[%select_n3A_727, %dma_wait3A_804, %select_n3A_743, %dma_wait3A_808, %dma_wait3A_809] : memref<50x8x32x8x128xf32, #tpu.memory_space<hbm>> -> memref<1x1x1x8x128xf32, #tpu.memory_space<hbm>>
        %dma_wait3A_811 = tpu.memref_squeeze %dma_wait3A_810 : memref<1x1x1x8x128xf32, #tpu.memory_space<hbm>> -> memref<8x128xf32, #tpu.memory_space<hbm>>
        %dma_wait3A_812 = arith.constant 0 : i32
        %dma_wait3A_813 = arith.constant 0 : i32
        %dma_wait3A_814 = tpu.memref_slice %arg4[%select_n3A_727, %dma_wait3A_804, %select_n3A_743, %dma_wait3A_812, %dma_wait3A_813] : memref<50x8x32x8x128xf32, #tpu.memory_space<hbm>> -> memref<1x1x1x8x128xf32, #tpu.memory_space<hbm>>
        %dma_wait3A_815 = tpu.memref_squeeze %dma_wait3A_814 : memref<1x1x1x8x128xf32, #tpu.memory_space<hbm>> -> memref<8x128xf32, #tpu.memory_space<hbm>>
        %dma_wait3A_816 = arith.constant 32 : i32
        %dma_wait3A_817 = arith.constant 0 : i32
        %dma_wait3A_818 = tpu.memref_slice %arg8[%dma_wait3A_816, %dma_wait3A_817] : memref<64x129xf32, #tpu.memory_space<vmem>> -> memref<8x128xf32, #tpu.memory_space<vmem>>
        tpu.wait_dma2 semaphore(%arg12 : memref<!tpu.dma_semaphore, #tpu.memory_space<semaphore_mem>>) src(%dma_wait3A_818 : memref<8x128xf32, #tpu.memory_space<vmem>>) dst(%dma_wait3A_815 : memref<8x128xf32, #tpu.memory_space<hbm>>)
        %dma_wait3A_819 = arith.constant 5 : i32
        %dma_wait3A_820 = arith.constant 40 : i32
        %dma_wait3A_821 = arith.constant 0 : i32
        %dma_wait3A_822 = tpu.memref_slice %arg8[%dma_wait3A_820, %dma_wait3A_821] : memref<64x129xf32, #tpu.memory_space<vmem>> -> memref<8x128xf32, #tpu.memory_space<vmem>>
        %dma_wait3A_823 = arith.constant 0 : i32
        %dma_wait3A_824 = arith.constant 0 : i32
        %dma_wait3A_825 = tpu.memref_slice %arg4[%select_n3A_727, %dma_wait3A_819, %select_n3A_743, %dma_wait3A_823, %dma_wait3A_824] : memref<50x8x32x8x128xf32, #tpu.memory_space<hbm>> -> memref<1x1x1x8x128xf32, #tpu.memory_space<hbm>>
        %dma_wait3A_826 = tpu.memref_squeeze %dma_wait3A_825 : memref<1x1x1x8x128xf32, #tpu.memory_space<hbm>> -> memref<8x128xf32, #tpu.memory_space<hbm>>
        %dma_wait3A_827 = arith.constant 0 : i32
        %dma_wait3A_828 = arith.constant 0 : i32
        %dma_wait3A_829 = tpu.memref_slice %arg4[%select_n3A_727, %dma_wait3A_819, %select_n3A_743, %dma_wait3A_827, %dma_wait3A_828] : memref<50x8x32x8x128xf32, #tpu.memory_space<hbm>> -> memref<1x1x1x8x128xf32, #tpu.memory_space<hbm>>
        %dma_wait3A_830 = tpu.memref_squeeze %dma_wait3A_829 : memref<1x1x1x8x128xf32, #tpu.memory_space<hbm>> -> memref<8x128xf32, #tpu.memory_space<hbm>>
        %dma_wait3A_831 = arith.constant 40 : i32
        %dma_wait3A_832 = arith.constant 0 : i32
        %dma_wait3A_833 = tpu.memref_slice %arg8[%dma_wait3A_831, %dma_wait3A_832] : memref<64x129xf32, #tpu.memory_space<vmem>> -> memref<8x128xf32, #tpu.memory_space<vmem>>
        tpu.wait_dma2 semaphore(%arg12 : memref<!tpu.dma_semaphore, #tpu.memory_space<semaphore_mem>>) src(%dma_wait3A_833 : memref<8x128xf32, #tpu.memory_space<vmem>>) dst(%dma_wait3A_830 : memref<8x128xf32, #tpu.memory_space<hbm>>)
        %dma_wait3A_834 = arith.constant 6 : i32
        %dma_wait3A_835 = arith.constant 48 : i32
        %dma_wait3A_836 = arith.constant 0 : i32
        %dma_wait3A_837 = tpu.memref_slice %arg8[%dma_wait3A_835, %dma_wait3A_836] : memref<64x129xf32, #tpu.memory_space<vmem>> -> memref<8x128xf32, #tpu.memory_space<vmem>>
        %dma_wait3A_838 = arith.constant 0 : i32
        %dma_wait3A_839 = arith.constant 0 : i32
        %dma_wait3A_840 = tpu.memref_slice %arg4[%select_n3A_727, %dma_wait3A_834, %select_n3A_743, %dma_wait3A_838, %dma_wait3A_839] : memref<50x8x32x8x128xf32, #tpu.memory_space<hbm>> -> memref<1x1x1x8x128xf32, #tpu.memory_space<hbm>>
        %dma_wait3A_841 = tpu.memref_squeeze %dma_wait3A_840 : memref<1x1x1x8x128xf32, #tpu.memory_space<hbm>> -> memref<8x128xf32, #tpu.memory_space<hbm>>
        %dma_wait3A_842 = arith.constant 0 : i32
        %dma_wait3A_843 = arith.constant 0 : i32
        %dma_wait3A_844 = tpu.memref_slice %arg4[%select_n3A_727, %dma_wait3A_834, %select_n3A_743, %dma_wait3A_842, %dma_wait3A_843] : memref<50x8x32x8x128xf32, #tpu.memory_space<hbm>> -> memref<1x1x1x8x128xf32, #tpu.memory_space<hbm>>
        %dma_wait3A_845 = tpu.memref_squeeze %dma_wait3A_844 : memref<1x1x1x8x128xf32, #tpu.memory_space<hbm>> -> memref<8x128xf32, #tpu.memory_space<hbm>>
        %dma_wait3A_846 = arith.constant 48 : i32
        %dma_wait3A_847 = arith.constant 0 : i32
        %dma_wait3A_848 = tpu.memref_slice %arg8[%dma_wait3A_846, %dma_wait3A_847] : memref<64x129xf32, #tpu.memory_space<vmem>> -> memref<8x128xf32, #tpu.memory_space<vmem>>
        tpu.wait_dma2 semaphore(%arg12 : memref<!tpu.dma_semaphore, #tpu.memory_space<semaphore_mem>>) src(%dma_wait3A_848 : memref<8x128xf32, #tpu.memory_space<vmem>>) dst(%dma_wait3A_845 : memref<8x128xf32, #tpu.memory_space<hbm>>)
        %dma_wait3A_849 = arith.constant 7 : i32
        %dma_wait3A_850 = arith.constant 56 : i32
        %dma_wait3A_851 = arith.constant 0 : i32
        %dma_wait3A_852 = tpu.memref_slice %arg8[%dma_wait3A_850, %dma_wait3A_851] : memref<64x129xf32, #tpu.memory_space<vmem>> -> memref<8x128xf32, #tpu.memory_space<vmem>>
        %dma_wait3A_853 = arith.constant 0 : i32
        %dma_wait3A_854 = arith.constant 0 : i32
        %dma_wait3A_855 = tpu.memref_slice %arg4[%select_n3A_727, %dma_wait3A_849, %select_n3A_743, %dma_wait3A_853, %dma_wait3A_854] : memref<50x8x32x8x128xf32, #tpu.memory_space<hbm>> -> memref<1x1x1x8x128xf32, #tpu.memory_space<hbm>>
        %dma_wait3A_856 = tpu.memref_squeeze %dma_wait3A_855 : memref<1x1x1x8x128xf32, #tpu.memory_space<hbm>> -> memref<8x128xf32, #tpu.memory_space<hbm>>
        %dma_wait3A_857 = arith.constant 0 : i32
        %dma_wait3A_858 = arith.constant 0 : i32
        %dma_wait3A_859 = tpu.memref_slice %arg4[%select_n3A_727, %dma_wait3A_849, %select_n3A_743, %dma_wait3A_857, %dma_wait3A_858] : memref<50x8x32x8x128xf32, #tpu.memory_space<hbm>> -> memref<1x1x1x8x128xf32, #tpu.memory_space<hbm>>
        %dma_wait3A_860 = tpu.memref_squeeze %dma_wait3A_859 : memref<1x1x1x8x128xf32, #tpu.memory_space<hbm>> -> memref<8x128xf32, #tpu.memory_space<hbm>>
        %dma_wait3A_861 = arith.constant 56 : i32
        %dma_wait3A_862 = arith.constant 0 : i32
        %dma_wait3A_863 = tpu.memref_slice %arg8[%dma_wait3A_861, %dma_wait3A_862] : memref<64x129xf32, #tpu.memory_space<vmem>> -> memref<8x128xf32, #tpu.memory_space<vmem>>
        tpu.wait_dma2 semaphore(%arg12 : memref<!tpu.dma_semaphore, #tpu.memory_space<semaphore_mem>>) src(%dma_wait3A_863 : memref<8x128xf32, #tpu.memory_space<vmem>>) dst(%dma_wait3A_860 : memref<8x128xf32, #tpu.memory_space<hbm>>)
      } else {
      }
      %parallel_loop3A = arith.constant 0 : i32
      %parallel_loop3A_358 = arith.constant 128 : i32
      %parallel_loop3A_359 = arith.constant 1 : i32
      scf.for %parallel_loop3A_703 = %parallel_loop3A to %parallel_loop3A_358 step %parallel_loop3A_359  : i32 {
        %parallel_loop3A_704 = vector.broadcast %parallel_loop3A_703 : i32 to vector<16xi32>
        %parallel_loop3A_705 = arith.index_cast %parallel_loop3A_703 : i32 to index
        %parallel_loop3A_706 = arith.constant 0 : index
        %parallel_loop3A_707 = tpu.vector_load %arg6[%parallel_loop3A_705, %parallel_loop3A_706] {strides = array<i32>} : memref<128x64xf32, #tpu.memory_space<vmem>>, vector<16xf32>,
        tpu.vector_store_idx %arg8[%add3A_5, %parallel_loop3A_704], %parallel_loop3A_707 : memref<64x129xf32, #tpu.memory_space<vmem>>[vector<16xi32>, vector<16xi32>], vector<16xf32>,
        %parallel_loop3A_708 = arith.index_cast %parallel_loop3A_703 : i32 to index
        %parallel_loop3A_709 = arith.constant 16 : index
        %parallel_loop3A_710 = tpu.vector_load %arg6[%parallel_loop3A_708, %parallel_loop3A_709] {strides = array<i32>} : memref<128x64xf32, #tpu.memory_space<vmem>>, vector<16xf32>,
        tpu.vector_store_idx %arg8[%add3A_8, %parallel_loop3A_704], %parallel_loop3A_710 : memref<64x129xf32, #tpu.memory_space<vmem>>[vector<16xi32>, vector<16xi32>], vector<16xf32>,
        %parallel_loop3A_711 = arith.index_cast %parallel_loop3A_703 : i32 to index
        %parallel_loop3A_712 = arith.constant 32 : index
        %parallel_loop3A_713 = tpu.vector_load %arg6[%parallel_loop3A_711, %parallel_loop3A_712] {strides = array<i32>} : memref<128x64xf32, #tpu.memory_space<vmem>>, vector<16xf32>,
        tpu.vector_store_idx %arg8[%add3A_11, %parallel_loop3A_704], %parallel_loop3A_713 : memref<64x129xf32, #tpu.memory_space<vmem>>[vector<16xi32>, vector<16xi32>], vector<16xf32>,
        %parallel_loop3A_714 = arith.index_cast %parallel_loop3A_703 : i32 to index
        %parallel_loop3A_715 = arith.constant 48 : index
        %parallel_loop3A_716 = tpu.vector_load %arg6[%parallel_loop3A_714, %parallel_loop3A_715] {strides = array<i32>} : memref<128x64xf32, #tpu.memory_space<vmem>>, vector<16xf32>,
        tpu.vector_store_idx %arg8[%add3A_14, %parallel_loop3A_704], %parallel_loop3A_716 : memref<64x129xf32, #tpu.memory_space<vmem>>[vector<16xi32>, vector<16xi32>], vector<16xf32>,
      } {sc.loop_unroll_factor = 4 : i64, sc.parallel_access}
      %add3A_360 = arith.addi %mul3A_2, %mul3A_341 : i32
      %jit3A_361 = arith.constant 32 : i32
      %div3A_362 = arith.divsi %add3A_360, %jit3A_361 : i32
      %sign3A_363 = arith.constant 0 : i32
      %sign3A_364 = arith.cmpi sgt, %add3A_360, %sign3A_363 : i32
      %sign3A_365 = arith.extui %sign3A_364 : i1 to i32
      %sign3A_366 = arith.constant 0 : i32
      %sign3A_367 = arith.cmpi slt, %add3A_360, %sign3A_366 : i32
      %sign3A_368 = arith.extui %sign3A_367 : i1 to i32
      %sign3A_369 = arith.subi %sign3A_365, %sign3A_368 : i32
      %sign3A_370 = arith.constant 0 : i32
      %sign3A_371 = arith.cmpi sgt, %jit3A_361, %sign3A_370 : i32
      %sign3A_372 = arith.extui %sign3A_371 : i1 to i32
      %sign3A_373 = arith.constant 0 : i32
      %sign3A_374 = arith.cmpi slt, %jit3A_361, %sign3A_373 : i32
      %sign3A_375 = arith.extui %sign3A_374 : i1 to i32
      %sign3A_376 = arith.subi %sign3A_372, %sign3A_375 : i32
      %ne3A_377 = arith.cmpi ne, %sign3A_369, %sign3A_376 : i32
      %rem3A_378 = arith.remsi %add3A_360, %jit3A_361 : i32
      %ne3A_379 = arith.constant 0 : i32
      %ne3A_380 = arith.cmpi ne, %rem3A_378, %ne3A_379 : i32
      %and3A_381 = arith.andi %ne3A_377, %ne3A_380 : i1
      %sub3A_382 = arith.constant 1 : i32
      %sub3A_383 = arith.subi %div3A_362, %sub3A_382 : i32
      %select_n3A_384 = arith.select %and3A_381, %sub3A_383, %div3A_362 : i32
      %jit3A_385 = arith.constant 32 : i32
      %eq3A_386 = arith.constant 0 : i32
      %eq3A_387 = arith.cmpi eq, %jit3A_385, %eq3A_386 : i32
      %jit3A_388 = arith.constant 1 : i32
      %select_n3A_389 = arith.select %eq3A_387, %jit3A_388, %jit3A_385 : i32
      %rem3A_390 = arith.remsi %add3A_360, %select_n3A_389 : i32
      %ne3A_391 = arith.constant 0 : i32
      %ne3A_392 = arith.cmpi ne, %rem3A_390, %ne3A_391 : i32
      %lt3A_393 = arith.constant 0 : i32
      %lt3A_394 = arith.cmpi slt, %rem3A_390, %lt3A_393 : i32
      %lt3A_395 = arith.constant 0 : i32
      %lt3A_396 = arith.cmpi slt, %select_n3A_389, %lt3A_395 : i32
      %ne3A_397 = arith.xori %lt3A_394, %lt3A_396 : i1
      %and3A_398 = arith.andi %ne3A_397, %ne3A_392 : i1
      %add3A_399 = arith.addi %rem3A_390, %select_n3A_389 : i32
      %select_n3A_400 = arith.select %and3A_398, %add3A_399, %rem3A_390 : i32
      %dma_start3A_401 = arith.constant 0 : i32
      %dma_start3A_402 = arith.constant 0 : i32
      %dma_start3A_403 = arith.constant 0 : i32
      %dma_start3A_404 = tpu.memref_slice %arg8[%dma_start3A_402, %dma_start3A_403] : memref<64x129xf32, #tpu.memory_space<vmem>> -> memref<8x128xf32, #tpu.memory_space<vmem>>
      %dma_start3A_405 = arith.constant 0 : i32
      %dma_start3A_406 = arith.constant 0 : i32
      %dma_start3A_407 = tpu.memref_slice %arg4[%select_n3A_384, %dma_start3A_401, %select_n3A_400, %dma_start3A_405, %dma_start3A_406] : memref<50x8x32x8x128xf32, #tpu.memory_space<hbm>> -> memref<1x1x1x8x128xf32, #tpu.memory_space<hbm>>
      %dma_start3A_408 = tpu.memref_squeeze %dma_start3A_407 : memref<1x1x1x8x128xf32, #tpu.memory_space<hbm>> -> memref<8x128xf32, #tpu.memory_space<hbm>>
      %dma_start3A_409 = arith.constant 0 : i32
      %dma_start3A_410 = arith.constant 0 : i32
      %dma_start3A_411 = tpu.memref_slice %arg4[%select_n3A_384, %dma_start3A_401, %select_n3A_400, %dma_start3A_409, %dma_start3A_410] : memref<50x8x32x8x128xf32, #tpu.memory_space<hbm>> -> memref<1x1x1x8x128xf32, #tpu.memory_space<hbm>>
      %dma_start3A_412 = tpu.memref_squeeze %dma_start3A_411 : memref<1x1x1x8x128xf32, #tpu.memory_space<hbm>> -> memref<8x128xf32, #tpu.memory_space<hbm>>
      %dma_start3A_413 = arith.constant 0 : i32
      %dma_start3A_414 = arith.constant 0 : i32
      %dma_start3A_415 = tpu.memref_slice %arg8[%dma_start3A_413, %dma_start3A_414] : memref<64x129xf32, #tpu.memory_space<vmem>> -> memref<8x128xf32, #tpu.memory_space<vmem>>
      tpu.enqueue_dma source(%dma_start3A_415 : memref<8x128xf32, #tpu.memory_space<vmem>>) target(%dma_start3A_412 : memref<8x128xf32, #tpu.memory_space<hbm>>) target_semaphore(%arg12 : memref<!tpu.dma_semaphore, #tpu.memory_space<semaphore_mem>>)
      %dma_start3A_416 = arith.constant 1 : i32
      %dma_start3A_417 = arith.constant 8 : i32
      %dma_start3A_418 = arith.constant 0 : i32
      %dma_start3A_419 = tpu.memref_slice %arg8[%dma_start3A_417, %dma_start3A_418] : memref<64x129xf32, #tpu.memory_space<vmem>> -> memref<8x128xf32, #tpu.memory_space<vmem>>
      %dma_start3A_420 = arith.constant 0 : i32
      %dma_start3A_421 = arith.constant 0 : i32
      %dma_start3A_422 = tpu.memref_slice %arg4[%select_n3A_384, %dma_start3A_416, %select_n3A_400, %dma_start3A_420, %dma_start3A_421] : memref<50x8x32x8x128xf32, #tpu.memory_space<hbm>> -> memref<1x1x1x8x128xf32, #tpu.memory_space<hbm>>
      %dma_start3A_423 = tpu.memref_squeeze %dma_start3A_422 : memref<1x1x1x8x128xf32, #tpu.memory_space<hbm>> -> memref<8x128xf32, #tpu.memory_space<hbm>>
      %dma_start3A_424 = arith.constant 0 : i32
      %dma_start3A_425 = arith.constant 0 : i32
      %dma_start3A_426 = tpu.memref_slice %arg4[%select_n3A_384, %dma_start3A_416, %select_n3A_400, %dma_start3A_424, %dma_start3A_425] : memref<50x8x32x8x128xf32, #tpu.memory_space<hbm>> -> memref<1x1x1x8x128xf32, #tpu.memory_space<hbm>>
      %dma_start3A_427 = tpu.memref_squeeze %dma_start3A_426 : memref<1x1x1x8x128xf32, #tpu.memory_space<hbm>> -> memref<8x128xf32, #tpu.memory_space<hbm>>
      %dma_start3A_428 = arith.constant 8 : i32
      %dma_start3A_429 = arith.constant 0 : i32
      %dma_start3A_430 = tpu.memref_slice %arg8[%dma_start3A_428, %dma_start3A_429] : memref<64x129xf32, #tpu.memory_space<vmem>> -> memref<8x128xf32, #tpu.memory_space<vmem>>
      tpu.enqueue_dma source(%dma_start3A_430 : memref<8x128xf32, #tpu.memory_space<vmem>>) target(%dma_start3A_427 : memref<8x128xf32, #tpu.memory_space<hbm>>) target_semaphore(%arg12 : memref<!tpu.dma_semaphore, #tpu.memory_space<semaphore_mem>>)
      %dma_start3A_431 = arith.constant 2 : i32
      %dma_start3A_432 = arith.constant 16 : i32
      %dma_start3A_433 = arith.constant 0 : i32
      %dma_start3A_434 = tpu.memref_slice %arg8[%dma_start3A_432, %dma_start3A_433] : memref<64x129xf32, #tpu.memory_space<vmem>> -> memref<8x128xf32, #tpu.memory_space<vmem>>
      %dma_start3A_435 = arith.constant 0 : i32
      %dma_start3A_436 = arith.constant 0 : i32
      %dma_start3A_437 = tpu.memref_slice %arg4[%select_n3A_384, %dma_start3A_431, %select_n3A_400, %dma_start3A_435, %dma_start3A_436] : memref<50x8x32x8x128xf32, #tpu.memory_space<hbm>> -> memref<1x1x1x8x128xf32, #tpu.memory_space<hbm>>
      %dma_start3A_438 = tpu.memref_squeeze %dma_start3A_437 : memref<1x1x1x8x128xf32, #tpu.memory_space<hbm>> -> memref<8x128xf32, #tpu.memory_space<hbm>>
      %dma_start3A_439 = arith.constant 0 : i32
      %dma_start3A_440 = arith.constant 0 : i32
      %dma_start3A_441 = tpu.memref_slice %arg4[%select_n3A_384, %dma_start3A_431, %select_n3A_400, %dma_start3A_439, %dma_start3A_440] : memref<50x8x32x8x128xf32, #tpu.memory_space<hbm>> -> memref<1x1x1x8x128xf32, #tpu.memory_space<hbm>>
      %dma_start3A_442 = tpu.memref_squeeze %dma_start3A_441 : memref<1x1x1x8x128xf32, #tpu.memory_space<hbm>> -> memref<8x128xf32, #tpu.memory_space<hbm>>
      %dma_start3A_443 = arith.constant 16 : i32
      %dma_start3A_444 = arith.constant 0 : i32
      %dma_start3A_445 = tpu.memref_slice %arg8[%dma_start3A_443, %dma_start3A_444] : memref<64x129xf32, #tpu.memory_space<vmem>> -> memref<8x128xf32, #tpu.memory_space<vmem>>
      tpu.enqueue_dma source(%dma_start3A_445 : memref<8x128xf32, #tpu.memory_space<vmem>>) target(%dma_start3A_442 : memref<8x128xf32, #tpu.memory_space<hbm>>) target_semaphore(%arg12 : memref<!tpu.dma_semaphore, #tpu.memory_space<semaphore_mem>>)
      %dma_start3A_446 = arith.constant 3 : i32
      %dma_start3A_447 = arith.constant 24 : i32
      %dma_start3A_448 = arith.constant 0 : i32
      %dma_start3A_449 = tpu.memref_slice %arg8[%dma_start3A_447, %dma_start3A_448] : memref<64x129xf32, #tpu.memory_space<vmem>> -> memref<8x128xf32, #tpu.memory_space<vmem>>
      %dma_start3A_450 = arith.constant 0 : i32
      %dma_start3A_451 = arith.constant 0 : i32
      %dma_start3A_452 = tpu.memref_slice %arg4[%select_n3A_384, %dma_start3A_446, %select_n3A_400, %dma_start3A_450, %dma_start3A_451] : memref<50x8x32x8x128xf32, #tpu.memory_space<hbm>> -> memref<1x1x1x8x128xf32, #tpu.memory_space<hbm>>
      %dma_start3A_453 = tpu.memref_squeeze %dma_start3A_452 : memref<1x1x1x8x128xf32, #tpu.memory_space<hbm>> -> memref<8x128xf32, #tpu.memory_space<hbm>>
      %dma_start3A_454 = arith.constant 0 : i32
      %dma_start3A_455 = arith.constant 0 : i32
      %dma_start3A_456 = tpu.memref_slice %arg4[%select_n3A_384, %dma_start3A_446, %select_n3A_400, %dma_start3A_454, %dma_start3A_455] : memref<50x8x32x8x128xf32, #tpu.memory_space<hbm>> -> memref<1x1x1x8x128xf32, #tpu.memory_space<hbm>>
      %dma_start3A_457 = tpu.memref_squeeze %dma_start3A_456 : memref<1x1x1x8x128xf32, #tpu.memory_space<hbm>> -> memref<8x128xf32, #tpu.memory_space<hbm>>
      %dma_start3A_458 = arith.constant 24 : i32
      %dma_start3A_459 = arith.constant 0 : i32
      %dma_start3A_460 = tpu.memref_slice %arg8[%dma_start3A_458, %dma_start3A_459] : memref<64x129xf32, #tpu.memory_space<vmem>> -> memref<8x128xf32, #tpu.memory_space<vmem>>
      tpu.enqueue_dma source(%dma_start3A_460 : memref<8x128xf32, #tpu.memory_space<vmem>>) target(%dma_start3A_457 : memref<8x128xf32, #tpu.memory_space<hbm>>) target_semaphore(%arg12 : memref<!tpu.dma_semaphore, #tpu.memory_space<semaphore_mem>>)
      %dma_start3A_461 = arith.constant 4 : i32
      %dma_start3A_462 = arith.constant 32 : i32
      %dma_start3A_463 = arith.constant 0 : i32
      %dma_start3A_464 = tpu.memref_slice %arg8[%dma_start3A_462, %dma_start3A_463] : memref<64x129xf32, #tpu.memory_space<vmem>> -> memref<8x128xf32, #tpu.memory_space<vmem>>
      %dma_start3A_465 = arith.constant 0 : i32
      %dma_start3A_466 = arith.constant 0 : i32
      %dma_start3A_467 = tpu.memref_slice %arg4[%select_n3A_384, %dma_start3A_461, %select_n3A_400, %dma_start3A_465, %dma_start3A_466] : memref<50x8x32x8x128xf32, #tpu.memory_space<hbm>> -> memref<1x1x1x8x128xf32, #tpu.memory_space<hbm>>
      %dma_start3A_468 = tpu.memref_squeeze %dma_start3A_467 : memref<1x1x1x8x128xf32, #tpu.memory_space<hbm>> -> memref<8x128xf32, #tpu.memory_space<hbm>>
      %dma_start3A_469 = arith.constant 0 : i32
      %dma_start3A_470 = arith.constant 0 : i32
      %dma_start3A_471 = tpu.memref_slice %arg4[%select_n3A_384, %dma_start3A_461, %select_n3A_400, %dma_start3A_469, %dma_start3A_470] : memref<50x8x32x8x128xf32, #tpu.memory_space<hbm>> -> memref<1x1x1x8x128xf32, #tpu.memory_space<hbm>>
      %dma_start3A_472 = tpu.memref_squeeze %dma_start3A_471 : memref<1x1x1x8x128xf32, #tpu.memory_space<hbm>> -> memref<8x128xf32, #tpu.memory_space<hbm>>
      %dma_start3A_473 = arith.constant 32 : i32
      %dma_start3A_474 = arith.constant 0 : i32
      %dma_start3A_475 = tpu.memref_slice %arg8[%dma_start3A_473, %dma_start3A_474] : memref<64x129xf32, #tpu.memory_space<vmem>> -> memref<8x128xf32, #tpu.memory_space<vmem>>
      tpu.enqueue_dma source(%dma_start3A_475 : memref<8x128xf32, #tpu.memory_space<vmem>>) target(%dma_start3A_472 : memref<8x128xf32, #tpu.memory_space<hbm>>) target_semaphore(%arg12 : memref<!tpu.dma_semaphore, #tpu.memory_space<semaphore_mem>>)
      %dma_start3A_476 = arith.constant 5 : i32
      %dma_start3A_477 = arith.constant 40 : i32
      %dma_start3A_478 = arith.constant 0 : i32
      %dma_start3A_479 = tpu.memref_slice %arg8[%dma_start3A_477, %dma_start3A_478] : memref<64x129xf32, #tpu.memory_space<vmem>> -> memref<8x128xf32, #tpu.memory_space<vmem>>
      %dma_start3A_480 = arith.constant 0 : i32
      %dma_start3A_481 = arith.constant 0 : i32
      %dma_start3A_482 = tpu.memref_slice %arg4[%select_n3A_384, %dma_start3A_476, %select_n3A_400, %dma_start3A_480, %dma_start3A_481] : memref<50x8x32x8x128xf32, #tpu.memory_space<hbm>> -> memref<1x1x1x8x128xf32, #tpu.memory_space<hbm>>
      %dma_start3A_483 = tpu.memref_squeeze %dma_start3A_482 : memref<1x1x1x8x128xf32, #tpu.memory_space<hbm>> -> memref<8x128xf32, #tpu.memory_space<hbm>>
      %dma_start3A_484 = arith.constant 0 : i32
      %dma_start3A_485 = arith.constant 0 : i32
      %dma_start3A_486 = tpu.memref_slice %arg4[%select_n3A_384, %dma_start3A_476, %select_n3A_400, %dma_start3A_484, %dma_start3A_485] : memref<50x8x32x8x128xf32, #tpu.memory_space<hbm>> -> memref<1x1x1x8x128xf32, #tpu.memory_space<hbm>>
      %dma_start3A_487 = tpu.memref_squeeze %dma_start3A_486 : memref<1x1x1x8x128xf32, #tpu.memory_space<hbm>> -> memref<8x128xf32, #tpu.memory_space<hbm>>
      %dma_start3A_488 = arith.constant 40 : i32
      %dma_start3A_489 = arith.constant 0 : i32
      %dma_start3A_490 = tpu.memref_slice %arg8[%dma_start3A_488, %dma_start3A_489] : memref<64x129xf32, #tpu.memory_space<vmem>> -> memref<8x128xf32, #tpu.memory_space<vmem>>
      tpu.enqueue_dma source(%dma_start3A_490 : memref<8x128xf32, #tpu.memory_space<vmem>>) target(%dma_start3A_487 : memref<8x128xf32, #tpu.memory_space<hbm>>) target_semaphore(%arg12 : memref<!tpu.dma_semaphore, #tpu.memory_space<semaphore_mem>>)
      %dma_start3A_491 = arith.constant 6 : i32
      %dma_start3A_492 = arith.constant 48 : i32
      %dma_start3A_493 = arith.constant 0 : i32
      %dma_start3A_494 = tpu.memref_slice %arg8[%dma_start3A_492, %dma_start3A_493] : memref<64x129xf32, #tpu.memory_space<vmem>> -> memref<8x128xf32, #tpu.memory_space<vmem>>
      %dma_start3A_495 = arith.constant 0 : i32
      %dma_start3A_496 = arith.constant 0 : i32
      %dma_start3A_497 = tpu.memref_slice %arg4[%select_n3A_384, %dma_start3A_491, %select_n3A_400, %dma_start3A_495, %dma_start3A_496] : memref<50x8x32x8x128xf32, #tpu.memory_space<hbm>> -> memref<1x1x1x8x128xf32, #tpu.memory_space<hbm>>
      %dma_start3A_498 = tpu.memref_squeeze %dma_start3A_497 : memref<1x1x1x8x128xf32, #tpu.memory_space<hbm>> -> memref<8x128xf32, #tpu.memory_space<hbm>>
      %dma_start3A_499 = arith.constant 0 : i32
      %dma_start3A_500 = arith.constant 0 : i32
      %dma_start3A_501 = tpu.memref_slice %arg4[%select_n3A_384, %dma_start3A_491, %select_n3A_400, %dma_start3A_499, %dma_start3A_500] : memref<50x8x32x8x128xf32, #tpu.memory_space<hbm>> -> memref<1x1x1x8x128xf32, #tpu.memory_space<hbm>>
      %dma_start3A_502 = tpu.memref_squeeze %dma_start3A_501 : memref<1x1x1x8x128xf32, #tpu.memory_space<hbm>> -> memref<8x128xf32, #tpu.memory_space<hbm>>
      %dma_start3A_503 = arith.constant 48 : i32
      %dma_start3A_504 = arith.constant 0 : i32
      %dma_start3A_505 = tpu.memref_slice %arg8[%dma_start3A_503, %dma_start3A_504] : memref<64x129xf32, #tpu.memory_space<vmem>> -> memref<8x128xf32, #tpu.memory_space<vmem>>
      tpu.enqueue_dma source(%dma_start3A_505 : memref<8x128xf32, #tpu.memory_space<vmem>>) target(%dma_start3A_502 : memref<8x128xf32, #tpu.memory_space<hbm>>) target_semaphore(%arg12 : memref<!tpu.dma_semaphore, #tpu.memory_space<semaphore_mem>>)
      %dma_start3A_506 = arith.constant 7 : i32
      %dma_start3A_507 = arith.constant 56 : i32
      %dma_start3A_508 = arith.constant 0 : i32
      %dma_start3A_509 = tpu.memref_slice %arg8[%dma_start3A_507, %dma_start3A_508] : memref<64x129xf32, #tpu.memory_space<vmem>> -> memref<8x128xf32, #tpu.memory_space<vmem>>
      %dma_start3A_510 = arith.constant 0 : i32
      %dma_start3A_511 = arith.constant 0 : i32
      %dma_start3A_512 = tpu.memref_slice %arg4[%select_n3A_384, %dma_start3A_506, %select_n3A_400, %dma_start3A_510, %dma_start3A_511] : memref<50x8x32x8x128xf32, #tpu.memory_space<hbm>> -> memref<1x1x1x8x128xf32, #tpu.memory_space<hbm>>
      %dma_start3A_513 = tpu.memref_squeeze %dma_start3A_512 : memref<1x1x1x8x128xf32, #tpu.memory_space<hbm>> -> memref<8x128xf32, #tpu.memory_space<hbm>>
      %dma_start3A_514 = arith.constant 0 : i32
      %dma_start3A_515 = arith.constant 0 : i32
      %dma_start3A_516 = tpu.memref_slice %arg4[%select_n3A_384, %dma_start3A_506, %select_n3A_400, %dma_start3A_514, %dma_start3A_515] : memref<50x8x32x8x128xf32, #tpu.memory_space<hbm>> -> memref<1x1x1x8x128xf32, #tpu.memory_space<hbm>>
      %dma_start3A_517 = tpu.memref_squeeze %dma_start3A_516 : memref<1x1x1x8x128xf32, #tpu.memory_space<hbm>> -> memref<8x128xf32, #tpu.memory_space<hbm>>
      %dma_start3A_518 = arith.constant 56 : i32
      %dma_start3A_519 = arith.constant 0 : i32
      %dma_start3A_520 = tpu.memref_slice %arg8[%dma_start3A_518, %dma_start3A_519] : memref<64x129xf32, #tpu.memory_space<vmem>> -> memref<8x128xf32, #tpu.memory_space<vmem>>
      tpu.enqueue_dma source(%dma_start3A_520 : memref<8x128xf32, #tpu.memory_space<vmem>>) target(%dma_start3A_517 : memref<8x128xf32, #tpu.memory_space<hbm>>) target_semaphore(%arg12 : memref<!tpu.dma_semaphore, #tpu.memory_space<semaphore_mem>>)
      %lt3A_521 = arith.constant 24 : i32
      %lt3A_522 = arith.cmpi slt, %scan3A_339, %lt3A_521 : i32
      %convert_element_type3A_523 = arith.extui %lt3A_522 : i1 to i32
      %cond3A_524 = arith.constant 0 : i32
      %cond3A_525 = arith.cmpi ne, %convert_element_type3A_523, %cond3A_524 : i32
      scf.if %cond3A_525 {
        %add3A_703 = arith.constant 2 : i32
        %add3A_704 = arith.addi %mul3A_341, %add3A_703 : i32
        %dma_start3A_705 = arith.constant 0 : i32
        %dma_start3A_706 = tpu.memref_slice %arg5[%add3A_704, %dma_start3A_705] : memref<50x128xi32, #tpu.memory_space<vmem>> -> memref<1x128xi32, #tpu.memory_space<vmem>>
        %dma_start3A_707 = tpu.memref_squeeze %dma_start3A_706 : memref<1x128xi32, #tpu.memory_space<vmem>> -> memref<128xi32, #tpu.memory_space<vmem>>
        %dma_start3A_708 = arith.constant 0 : i32
        %dma_start3A_709 = arith.constant 0 : i32
        %dma_start3A_710 = tpu.memref_slice %arg2[%dma_start3A_708, %dma_start3A_709] : memref<200000x64xf32, #tpu.memory_space<hbm>> -> memref<200000x64xf32, #tpu.memory_space<hbm>>
        tpu.enqueue_indirect_dma source(%dma_start3A_710 : memref<200000x64xf32, #tpu.memory_space<hbm>>) target(%arg6 : memref<128x64xf32, #tpu.memory_space<vmem>>) offsets(%dma_start3A_707 : memref<128xi32, #tpu.memory_space<vmem>>) semaphore(%arg10 : memref<!tpu.dma_semaphore, #tpu.memory_space<semaphore_mem>>)
      } else {
      }
      %add3A_526 = arith.constant 1 : i32
      %add3A_527 = arith.addi %mul3A_341, %add3A_526 : i32
      %dma_wait3A_528 = arith.constant 0 : i32
      %dma_wait3A_529 = tpu.memref_slice %arg5[%add3A_527, %dma_wait3A_528] : memref<50x128xi32, #tpu.memory_space<vmem>> -> memref<1x128xi32, #tpu.memory_space<vmem>>
      %dma_wait3A_530 = tpu.memref_squeeze %dma_wait3A_529 : memref<1x128xi32, #tpu.memory_space<vmem>> -> memref<128xi32, #tpu.memory_space<vmem>>
      %dma_wait3A_531 = arith.constant 0 : i32
      %dma_wait3A_532 = arith.constant 0 : i32
      %dma_wait3A_533 = tpu.memref_slice %arg2[%dma_wait3A_531, %dma_wait3A_532] : memref<200000x64xf32, #tpu.memory_space<hbm>> -> memref<200000x64xf32, #tpu.memory_space<hbm>>
      tpu.wait_indirect_dma semaphore(%arg11 : memref<!tpu.dma_semaphore, #tpu.memory_space<semaphore_mem>>) src(%dma_wait3A_533 : memref<200000x64xf32, #tpu.memory_space<hbm>>) dst(%arg7 : memref<128x64xf32, #tpu.memory_space<vmem>>)
      %ge3A_534 = arith.constant 2 : i32
      %ge3A_535 = arith.cmpi sge, %add3A_527, %ge3A_534 : i32
      %convert_element_type3A_536 = arith.extui %ge3A_535 : i1 to i32
      %cond3A_537 = arith.constant 0 : i32
      %cond3A_538 = arith.cmpi ne, %convert_element_type3A_536, %cond3A_537 : i32
      scf.if %cond3A_538 {
        %add3A_703 = arith.addi %mul3A_2, %add3A_527 : i32
        %jit3A_704 = arith.constant 32 : i32
        %div3A_705 = arith.divsi %add3A_703, %jit3A_704 : i32
        %sign3A_706 = arith.constant 0 : i32
        %sign3A_707 = arith.cmpi sgt, %add3A_703, %sign3A_706 : i32
        %sign3A_708 = arith.extui %sign3A_707 : i1 to i32
        %sign3A_709 = arith.constant 0 : i32
        %sign3A_710 = arith.cmpi slt, %add3A_703, %sign3A_709 : i32
        %sign3A_711 = arith.extui %sign3A_710 : i1 to i32
        %sign3A_712 = arith.subi %sign3A_708, %sign3A_711 : i32
        %sign3A_713 = arith.constant 0 : i32
        %sign3A_714 = arith.cmpi sgt, %jit3A_704, %sign3A_713 : i32
        %sign3A_715 = arith.extui %sign3A_714 : i1 to i32
        %sign3A_716 = arith.constant 0 : i32
        %sign3A_717 = arith.cmpi slt, %jit3A_704, %sign3A_716 : i32
        %sign3A_718 = arith.extui %sign3A_717 : i1 to i32
        %sign3A_719 = arith.subi %sign3A_715, %sign3A_718 : i32
        %ne3A_720 = arith.cmpi ne, %sign3A_712, %sign3A_719 : i32
        %rem3A_721 = arith.remsi %add3A_703, %jit3A_704 : i32
        %ne3A_722 = arith.constant 0 : i32
        %ne3A_723 = arith.cmpi ne, %rem3A_721, %ne3A_722 : i32
        %and3A_724 = arith.andi %ne3A_720, %ne3A_723 : i1
        %sub3A_725 = arith.constant 1 : i32
        %sub3A_726 = arith.subi %div3A_705, %sub3A_725 : i32
        %select_n3A_727 = arith.select %and3A_724, %sub3A_726, %div3A_705 : i32
        %jit3A_728 = arith.constant 32 : i32
        %eq3A_729 = arith.constant 0 : i32
        %eq3A_730 = arith.cmpi eq, %jit3A_728, %eq3A_729 : i32
        %jit3A_731 = arith.constant 1 : i32
        %select_n3A_732 = arith.select %eq3A_730, %jit3A_731, %jit3A_728 : i32
        %rem3A_733 = arith.remsi %add3A_703, %select_n3A_732 : i32
        %ne3A_734 = arith.constant 0 : i32
        %ne3A_735 = arith.cmpi ne, %rem3A_733, %ne3A_734 : i32
        %lt3A_736 = arith.constant 0 : i32
        %lt3A_737 = arith.cmpi slt, %rem3A_733, %lt3A_736 : i32
        %lt3A_738 = arith.constant 0 : i32
        %lt3A_739 = arith.cmpi slt, %select_n3A_732, %lt3A_738 : i32
        %ne3A_740 = arith.xori %lt3A_737, %lt3A_739 : i1
        %and3A_741 = arith.andi %ne3A_740, %ne3A_735 : i1
        %add3A_742 = arith.addi %rem3A_733, %select_n3A_732 : i32
        %select_n3A_743 = arith.select %and3A_741, %add3A_742, %rem3A_733 : i32
        %dma_wait3A_744 = arith.constant 0 : i32
        %dma_wait3A_745 = arith.constant 0 : i32
        %dma_wait3A_746 = arith.constant 0 : i32
        %dma_wait3A_747 = tpu.memref_slice %arg9[%dma_wait3A_745, %dma_wait3A_746] : memref<64x129xf32, #tpu.memory_space<vmem>> -> memref<8x128xf32, #tpu.memory_space<vmem>>
        %dma_wait3A_748 = arith.constant 0 : i32
        %dma_wait3A_749 = arith.constant 0 : i32
        %dma_wait3A_750 = tpu.memref_slice %arg4[%select_n3A_727, %dma_wait3A_744, %select_n3A_743, %dma_wait3A_748, %dma_wait3A_749] : memref<50x8x32x8x128xf32, #tpu.memory_space<hbm>> -> memref<1x1x1x8x128xf32, #tpu.memory_space<hbm>>
        %dma_wait3A_751 = tpu.memref_squeeze %dma_wait3A_750 : memref<1x1x1x8x128xf32, #tpu.memory_space<hbm>> -> memref<8x128xf32, #tpu.memory_space<hbm>>
        %dma_wait3A_752 = arith.constant 0 : i32
        %dma_wait3A_753 = arith.constant 0 : i32
        %dma_wait3A_754 = tpu.memref_slice %arg4[%select_n3A_727, %dma_wait3A_744, %select_n3A_743, %dma_wait3A_752, %dma_wait3A_753] : memref<50x8x32x8x128xf32, #tpu.memory_space<hbm>> -> memref<1x1x1x8x128xf32, #tpu.memory_space<hbm>>
        %dma_wait3A_755 = tpu.memref_squeeze %dma_wait3A_754 : memref<1x1x1x8x128xf32, #tpu.memory_space<hbm>> -> memref<8x128xf32, #tpu.memory_space<hbm>>
        %dma_wait3A_756 = arith.constant 0 : i32
        %dma_wait3A_757 = arith.constant 0 : i32
        %dma_wait3A_758 = tpu.memref_slice %arg9[%dma_wait3A_756, %dma_wait3A_757] : memref<64x129xf32, #tpu.memory_space<vmem>> -> memref<8x128xf32, #tpu.memory_space<vmem>>
        tpu.wait_dma2 semaphore(%arg13 : memref<!tpu.dma_semaphore, #tpu.memory_space<semaphore_mem>>) src(%dma_wait3A_758 : memref<8x128xf32, #tpu.memory_space<vmem>>) dst(%dma_wait3A_755 : memref<8x128xf32, #tpu.memory_space<hbm>>)
        %dma_wait3A_759 = arith.constant 1 : i32
        %dma_wait3A_760 = arith.constant 8 : i32
        %dma_wait3A_761 = arith.constant 0 : i32
        %dma_wait3A_762 = tpu.memref_slice %arg9[%dma_wait3A_760, %dma_wait3A_761] : memref<64x129xf32, #tpu.memory_space<vmem>> -> memref<8x128xf32, #tpu.memory_space<vmem>>
        %dma_wait3A_763 = arith.constant 0 : i32
        %dma_wait3A_764 = arith.constant 0 : i32
        %dma_wait3A_765 = tpu.memref_slice %arg4[%select_n3A_727, %dma_wait3A_759, %select_n3A_743, %dma_wait3A_763, %dma_wait3A_764] : memref<50x8x32x8x128xf32, #tpu.memory_space<hbm>> -> memref<1x1x1x8x128xf32, #tpu.memory_space<hbm>>
        %dma_wait3A_766 = tpu.memref_squeeze %dma_wait3A_765 : memref<1x1x1x8x128xf32, #tpu.memory_space<hbm>> -> memref<8x128xf32, #tpu.memory_space<hbm>>
        %dma_wait3A_767 = arith.constant 0 : i32
        %dma_wait3A_768 = arith.constant 0 : i32
        %dma_wait3A_769 = tpu.memref_slice %arg4[%select_n3A_727, %dma_wait3A_759, %select_n3A_743, %dma_wait3A_767, %dma_wait3A_768] : memref<50x8x32x8x128xf32, #tpu.memory_space<hbm>> -> memref<1x1x1x8x128xf32, #tpu.memory_space<hbm>>
        %dma_wait3A_770 = tpu.memref_squeeze %dma_wait3A_769 : memref<1x1x1x8x128xf32, #tpu.memory_space<hbm>> -> memref<8x128xf32, #tpu.memory_space<hbm>>
        %dma_wait3A_771 = arith.constant 8 : i32
        %dma_wait3A_772 = arith.constant 0 : i32
        %dma_wait3A_773 = tpu.memref_slice %arg9[%dma_wait3A_771, %dma_wait3A_772] : memref<64x129xf32, #tpu.memory_space<vmem>> -> memref<8x128xf32, #tpu.memory_space<vmem>>
        tpu.wait_dma2 semaphore(%arg13 : memref<!tpu.dma_semaphore, #tpu.memory_space<semaphore_mem>>) src(%dma_wait3A_773 : memref<8x128xf32, #tpu.memory_space<vmem>>) dst(%dma_wait3A_770 : memref<8x128xf32, #tpu.memory_space<hbm>>)
        %dma_wait3A_774 = arith.constant 2 : i32
        %dma_wait3A_775 = arith.constant 16 : i32
        %dma_wait3A_776 = arith.constant 0 : i32
        %dma_wait3A_777 = tpu.memref_slice %arg9[%dma_wait3A_775, %dma_wait3A_776] : memref<64x129xf32, #tpu.memory_space<vmem>> -> memref<8x128xf32, #tpu.memory_space<vmem>>
        %dma_wait3A_778 = arith.constant 0 : i32
        %dma_wait3A_779 = arith.constant 0 : i32
        %dma_wait3A_780 = tpu.memref_slice %arg4[%select_n3A_727, %dma_wait3A_774, %select_n3A_743, %dma_wait3A_778, %dma_wait3A_779] : memref<50x8x32x8x128xf32, #tpu.memory_space<hbm>> -> memref<1x1x1x8x128xf32, #tpu.memory_space<hbm>>
        %dma_wait3A_781 = tpu.memref_squeeze %dma_wait3A_780 : memref<1x1x1x8x128xf32, #tpu.memory_space<hbm>> -> memref<8x128xf32, #tpu.memory_space<hbm>>
        %dma_wait3A_782 = arith.constant 0 : i32
        %dma_wait3A_783 = arith.constant 0 : i32
        %dma_wait3A_784 = tpu.memref_slice %arg4[%select_n3A_727, %dma_wait3A_774, %select_n3A_743, %dma_wait3A_782, %dma_wait3A_783] : memref<50x8x32x8x128xf32, #tpu.memory_space<hbm>> -> memref<1x1x1x8x128xf32, #tpu.memory_space<hbm>>
        %dma_wait3A_785 = tpu.memref_squeeze %dma_wait3A_784 : memref<1x1x1x8x128xf32, #tpu.memory_space<hbm>> -> memref<8x128xf32, #tpu.memory_space<hbm>>
        %dma_wait3A_786 = arith.constant 16 : i32
        %dma_wait3A_787 = arith.constant 0 : i32
        %dma_wait3A_788 = tpu.memref_slice %arg9[%dma_wait3A_786, %dma_wait3A_787] : memref<64x129xf32, #tpu.memory_space<vmem>> -> memref<8x128xf32, #tpu.memory_space<vmem>>
        tpu.wait_dma2 semaphore(%arg13 : memref<!tpu.dma_semaphore, #tpu.memory_space<semaphore_mem>>) src(%dma_wait3A_788 : memref<8x128xf32, #tpu.memory_space<vmem>>) dst(%dma_wait3A_785 : memref<8x128xf32, #tpu.memory_space<hbm>>)
        %dma_wait3A_789 = arith.constant 3 : i32
        %dma_wait3A_790 = arith.constant 24 : i32
        %dma_wait3A_791 = arith.constant 0 : i32
        %dma_wait3A_792 = tpu.memref_slice %arg9[%dma_wait3A_790, %dma_wait3A_791] : memref<64x129xf32, #tpu.memory_space<vmem>> -> memref<8x128xf32, #tpu.memory_space<vmem>>
        %dma_wait3A_793 = arith.constant 0 : i32
        %dma_wait3A_794 = arith.constant 0 : i32
        %dma_wait3A_795 = tpu.memref_slice %arg4[%select_n3A_727, %dma_wait3A_789, %select_n3A_743, %dma_wait3A_793, %dma_wait3A_794] : memref<50x8x32x8x128xf32, #tpu.memory_space<hbm>> -> memref<1x1x1x8x128xf32, #tpu.memory_space<hbm>>
        %dma_wait3A_796 = tpu.memref_squeeze %dma_wait3A_795 : memref<1x1x1x8x128xf32, #tpu.memory_space<hbm>> -> memref<8x128xf32, #tpu.memory_space<hbm>>
        %dma_wait3A_797 = arith.constant 0 : i32
        %dma_wait3A_798 = arith.constant 0 : i32
        %dma_wait3A_799 = tpu.memref_slice %arg4[%select_n3A_727, %dma_wait3A_789, %select_n3A_743, %dma_wait3A_797, %dma_wait3A_798] : memref<50x8x32x8x128xf32, #tpu.memory_space<hbm>> -> memref<1x1x1x8x128xf32, #tpu.memory_space<hbm>>
        %dma_wait3A_800 = tpu.memref_squeeze %dma_wait3A_799 : memref<1x1x1x8x128xf32, #tpu.memory_space<hbm>> -> memref<8x128xf32, #tpu.memory_space<hbm>>
        %dma_wait3A_801 = arith.constant 24 : i32
        %dma_wait3A_802 = arith.constant 0 : i32
        %dma_wait3A_803 = tpu.memref_slice %arg9[%dma_wait3A_801, %dma_wait3A_802] : memref<64x129xf32, #tpu.memory_space<vmem>> -> memref<8x128xf32, #tpu.memory_space<vmem>>
        tpu.wait_dma2 semaphore(%arg13 : memref<!tpu.dma_semaphore, #tpu.memory_space<semaphore_mem>>) src(%dma_wait3A_803 : memref<8x128xf32, #tpu.memory_space<vmem>>) dst(%dma_wait3A_800 : memref<8x128xf32, #tpu.memory_space<hbm>>)
        %dma_wait3A_804 = arith.constant 4 : i32
        %dma_wait3A_805 = arith.constant 32 : i32
        %dma_wait3A_806 = arith.constant 0 : i32
        %dma_wait3A_807 = tpu.memref_slice %arg9[%dma_wait3A_805, %dma_wait3A_806] : memref<64x129xf32, #tpu.memory_space<vmem>> -> memref<8x128xf32, #tpu.memory_space<vmem>>
        %dma_wait3A_808 = arith.constant 0 : i32
        %dma_wait3A_809 = arith.constant 0 : i32
        %dma_wait3A_810 = tpu.memref_slice %arg4[%select_n3A_727, %dma_wait3A_804, %select_n3A_743, %dma_wait3A_808, %dma_wait3A_809] : memref<50x8x32x8x128xf32, #tpu.memory_space<hbm>> -> memref<1x1x1x8x128xf32, #tpu.memory_space<hbm>>
        %dma_wait3A_811 = tpu.memref_squeeze %dma_wait3A_810 : memref<1x1x1x8x128xf32, #tpu.memory_space<hbm>> -> memref<8x128xf32, #tpu.memory_space<hbm>>
        %dma_wait3A_812 = arith.constant 0 : i32
        %dma_wait3A_813 = arith.constant 0 : i32
        %dma_wait3A_814 = tpu.memref_slice %arg4[%select_n3A_727, %dma_wait3A_804, %select_n3A_743, %dma_wait3A_812, %dma_wait3A_813] : memref<50x8x32x8x128xf32, #tpu.memory_space<hbm>> -> memref<1x1x1x8x128xf32, #tpu.memory_space<hbm>>
        %dma_wait3A_815 = tpu.memref_squeeze %dma_wait3A_814 : memref<1x1x1x8x128xf32, #tpu.memory_space<hbm>> -> memref<8x128xf32, #tpu.memory_space<hbm>>
        %dma_wait3A_816 = arith.constant 32 : i32
        %dma_wait3A_817 = arith.constant 0 : i32
        %dma_wait3A_818 = tpu.memref_slice %arg9[%dma_wait3A_816, %dma_wait3A_817] : memref<64x129xf32, #tpu.memory_space<vmem>> -> memref<8x128xf32, #tpu.memory_space<vmem>>
        tpu.wait_dma2 semaphore(%arg13 : memref<!tpu.dma_semaphore, #tpu.memory_space<semaphore_mem>>) src(%dma_wait3A_818 : memref<8x128xf32, #tpu.memory_space<vmem>>) dst(%dma_wait3A_815 : memref<8x128xf32, #tpu.memory_space<hbm>>)
        %dma_wait3A_819 = arith.constant 5 : i32
        %dma_wait3A_820 = arith.constant 40 : i32
        %dma_wait3A_821 = arith.constant 0 : i32
        %dma_wait3A_822 = tpu.memref_slice %arg9[%dma_wait3A_820, %dma_wait3A_821] : memref<64x129xf32, #tpu.memory_space<vmem>> -> memref<8x128xf32, #tpu.memory_space<vmem>>
        %dma_wait3A_823 = arith.constant 0 : i32
        %dma_wait3A_824 = arith.constant 0 : i32
        %dma_wait3A_825 = tpu.memref_slice %arg4[%select_n3A_727, %dma_wait3A_819, %select_n3A_743, %dma_wait3A_823, %dma_wait3A_824] : memref<50x8x32x8x128xf32, #tpu.memory_space<hbm>> -> memref<1x1x1x8x128xf32, #tpu.memory_space<hbm>>
        %dma_wait3A_826 = tpu.memref_squeeze %dma_wait3A_825 : memref<1x1x1x8x128xf32, #tpu.memory_space<hbm>> -> memref<8x128xf32, #tpu.memory_space<hbm>>
        %dma_wait3A_827 = arith.constant 0 : i32
        %dma_wait3A_828 = arith.constant 0 : i32
        %dma_wait3A_829 = tpu.memref_slice %arg4[%select_n3A_727, %dma_wait3A_819, %select_n3A_743, %dma_wait3A_827, %dma_wait3A_828] : memref<50x8x32x8x128xf32, #tpu.memory_space<hbm>> -> memref<1x1x1x8x128xf32, #tpu.memory_space<hbm>>
        %dma_wait3A_830 = tpu.memref_squeeze %dma_wait3A_829 : memref<1x1x1x8x128xf32, #tpu.memory_space<hbm>> -> memref<8x128xf32, #tpu.memory_space<hbm>>
        %dma_wait3A_831 = arith.constant 40 : i32
        %dma_wait3A_832 = arith.constant 0 : i32
        %dma_wait3A_833 = tpu.memref_slice %arg9[%dma_wait3A_831, %dma_wait3A_832] : memref<64x129xf32, #tpu.memory_space<vmem>> -> memref<8x128xf32, #tpu.memory_space<vmem>>
        tpu.wait_dma2 semaphore(%arg13 : memref<!tpu.dma_semaphore, #tpu.memory_space<semaphore_mem>>) src(%dma_wait3A_833 : memref<8x128xf32, #tpu.memory_space<vmem>>) dst(%dma_wait3A_830 : memref<8x128xf32, #tpu.memory_space<hbm>>)
        %dma_wait3A_834 = arith.constant 6 : i32
        %dma_wait3A_835 = arith.constant 48 : i32
        %dma_wait3A_836 = arith.constant 0 : i32
        %dma_wait3A_837 = tpu.memref_slice %arg9[%dma_wait3A_835, %dma_wait3A_836] : memref<64x129xf32, #tpu.memory_space<vmem>> -> memref<8x128xf32, #tpu.memory_space<vmem>>
        %dma_wait3A_838 = arith.constant 0 : i32
        %dma_wait3A_839 = arith.constant 0 : i32
        %dma_wait3A_840 = tpu.memref_slice %arg4[%select_n3A_727, %dma_wait3A_834, %select_n3A_743, %dma_wait3A_838, %dma_wait3A_839] : memref<50x8x32x8x128xf32, #tpu.memory_space<hbm>> -> memref<1x1x1x8x128xf32, #tpu.memory_space<hbm>>
        %dma_wait3A_841 = tpu.memref_squeeze %dma_wait3A_840 : memref<1x1x1x8x128xf32, #tpu.memory_space<hbm>> -> memref<8x128xf32, #tpu.memory_space<hbm>>
        %dma_wait3A_842 = arith.constant 0 : i32
        %dma_wait3A_843 = arith.constant 0 : i32
        %dma_wait3A_844 = tpu.memref_slice %arg4[%select_n3A_727, %dma_wait3A_834, %select_n3A_743, %dma_wait3A_842, %dma_wait3A_843] : memref<50x8x32x8x128xf32, #tpu.memory_space<hbm>> -> memref<1x1x1x8x128xf32, #tpu.memory_space<hbm>>
        %dma_wait3A_845 = tpu.memref_squeeze %dma_wait3A_844 : memref<1x1x1x8x128xf32, #tpu.memory_space<hbm>> -> memref<8x128xf32, #tpu.memory_space<hbm>>
        %dma_wait3A_846 = arith.constant 48 : i32
        %dma_wait3A_847 = arith.constant 0 : i32
        %dma_wait3A_848 = tpu.memref_slice %arg9[%dma_wait3A_846, %dma_wait3A_847] : memref<64x129xf32, #tpu.memory_space<vmem>> -> memref<8x128xf32, #tpu.memory_space<vmem>>
        tpu.wait_dma2 semaphore(%arg13 : memref<!tpu.dma_semaphore, #tpu.memory_space<semaphore_mem>>) src(%dma_wait3A_848 : memref<8x128xf32, #tpu.memory_space<vmem>>) dst(%dma_wait3A_845 : memref<8x128xf32, #tpu.memory_space<hbm>>)
        %dma_wait3A_849 = arith.constant 7 : i32
        %dma_wait3A_850 = arith.constant 56 : i32
        %dma_wait3A_851 = arith.constant 0 : i32
        %dma_wait3A_852 = tpu.memref_slice %arg9[%dma_wait3A_850, %dma_wait3A_851] : memref<64x129xf32, #tpu.memory_space<vmem>> -> memref<8x128xf32, #tpu.memory_space<vmem>>
        %dma_wait3A_853 = arith.constant 0 : i32
        %dma_wait3A_854 = arith.constant 0 : i32
        %dma_wait3A_855 = tpu.memref_slice %arg4[%select_n3A_727, %dma_wait3A_849, %select_n3A_743, %dma_wait3A_853, %dma_wait3A_854] : memref<50x8x32x8x128xf32, #tpu.memory_space<hbm>> -> memref<1x1x1x8x128xf32, #tpu.memory_space<hbm>>
        %dma_wait3A_856 = tpu.memref_squeeze %dma_wait3A_855 : memref<1x1x1x8x128xf32, #tpu.memory_space<hbm>> -> memref<8x128xf32, #tpu.memory_space<hbm>>
        %dma_wait3A_857 = arith.constant 0 : i32
        %dma_wait3A_858 = arith.constant 0 : i32
        %dma_wait3A_859 = tpu.memref_slice %arg4[%select_n3A_727, %dma_wait3A_849, %select_n3A_743, %dma_wait3A_857, %dma_wait3A_858] : memref<50x8x32x8x128xf32, #tpu.memory_space<hbm>> -> memref<1x1x1x8x128xf32, #tpu.memory_space<hbm>>
        %dma_wait3A_860 = tpu.memref_squeeze %dma_wait3A_859 : memref<1x1x1x8x128xf32, #tpu.memory_space<hbm>> -> memref<8x128xf32, #tpu.memory_space<hbm>>
        %dma_wait3A_861 = arith.constant 56 : i32
        %dma_wait3A_862 = arith.constant 0 : i32
        %dma_wait3A_863 = tpu.memref_slice %arg9[%dma_wait3A_861, %dma_wait3A_862] : memref<64x129xf32, #tpu.memory_space<vmem>> -> memref<8x128xf32, #tpu.memory_space<vmem>>
        tpu.wait_dma2 semaphore(%arg13 : memref<!tpu.dma_semaphore, #tpu.memory_space<semaphore_mem>>) src(%dma_wait3A_863 : memref<8x128xf32, #tpu.memory_space<vmem>>) dst(%dma_wait3A_860 : memref<8x128xf32, #tpu.memory_space<hbm>>)
      } else {
      }
      %parallel_loop3A_539 = arith.constant 0 : i32
      %parallel_loop3A_540 = arith.constant 128 : i32
      %parallel_loop3A_541 = arith.constant 1 : i32
      scf.for %parallel_loop3A_703 = %parallel_loop3A_539 to %parallel_loop3A_540 step %parallel_loop3A_541  : i32 {
        %parallel_loop3A_704 = vector.broadcast %parallel_loop3A_703 : i32 to vector<16xi32>
        %parallel_loop3A_705 = arith.index_cast %parallel_loop3A_703 : i32 to index
        %parallel_loop3A_706 = arith.constant 0 : index
        %parallel_loop3A_707 = tpu.vector_load %arg7[%parallel_loop3A_705, %parallel_loop3A_706] {strides = array<i32>} : memref<128x64xf32, #tpu.memory_space<vmem>>, vector<16xf32>,
        tpu.vector_store_idx %arg9[%add3A_5, %parallel_loop3A_704], %parallel_loop3A_707 : memref<64x129xf32, #tpu.memory_space<vmem>>[vector<16xi32>, vector<16xi32>], vector<16xf32>,
        %parallel_loop3A_708 = arith.index_cast %parallel_loop3A_703 : i32 to index
        %parallel_loop3A_709 = arith.constant 16 : index
        %parallel_loop3A_710 = tpu.vector_load %arg7[%parallel_loop3A_708, %parallel_loop3A_709] {strides = array<i32>} : memref<128x64xf32, #tpu.memory_space<vmem>>, vector<16xf32>,
        tpu.vector_store_idx %arg9[%add3A_8, %parallel_loop3A_704], %parallel_loop3A_710 : memref<64x129xf32, #tpu.memory_space<vmem>>[vector<16xi32>, vector<16xi32>], vector<16xf32>,
        %parallel_loop3A_711 = arith.index_cast %parallel_loop3A_703 : i32 to index
        %parallel_loop3A_712 = arith.constant 32 : index
        %parallel_loop3A_713 = tpu.vector_load %arg7[%parallel_loop3A_711, %parallel_loop3A_712] {strides = array<i32>} : memref<128x64xf32, #tpu.memory_space<vmem>>, vector<16xf32>,
        tpu.vector_store_idx %arg9[%add3A_11, %parallel_loop3A_704], %parallel_loop3A_713 : memref<64x129xf32, #tpu.memory_space<vmem>>[vector<16xi32>, vector<16xi32>], vector<16xf32>,
        %parallel_loop3A_714 = arith.index_cast %parallel_loop3A_703 : i32 to index
        %parallel_loop3A_715 = arith.constant 48 : index
        %parallel_loop3A_716 = tpu.vector_load %arg7[%parallel_loop3A_714, %parallel_loop3A_715] {strides = array<i32>} : memref<128x64xf32, #tpu.memory_space<vmem>>, vector<16xf32>,
        tpu.vector_store_idx %arg9[%add3A_14, %parallel_loop3A_704], %parallel_loop3A_716 : memref<64x129xf32, #tpu.memory_space<vmem>>[vector<16xi32>, vector<16xi32>], vector<16xf32>,
      } {sc.loop_unroll_factor = 4 : i64, sc.parallel_access}
      %add3A_542 = arith.addi %mul3A_2, %add3A_527 : i32
      %jit3A_543 = arith.constant 32 : i32
      %div3A_544 = arith.divsi %add3A_542, %jit3A_543 : i32
      %sign3A_545 = arith.constant 0 : i32
      %sign3A_546 = arith.cmpi sgt, %add3A_542, %sign3A_545 : i32
      %sign3A_547 = arith.extui %sign3A_546 : i1 to i32
      %sign3A_548 = arith.constant 0 : i32
      %sign3A_549 = arith.cmpi slt, %add3A_542, %sign3A_548 : i32
      %sign3A_550 = arith.extui %sign3A_549 : i1 to i32
      %sign3A_551 = arith.subi %sign3A_547, %sign3A_550 : i32
      %sign3A_552 = arith.constant 0 : i32
      %sign3A_553 = arith.cmpi sgt, %jit3A_543, %sign3A_552 : i32
      %sign3A_554 = arith.extui %sign3A_553 : i1 to i32
      %sign3A_555 = arith.constant 0 : i32
      %sign3A_556 = arith.cmpi slt, %jit3A_543, %sign3A_555 : i32
      %sign3A_557 = arith.extui %sign3A_556 : i1 to i32
      %sign3A_558 = arith.subi %sign3A_554, %sign3A_557 : i32
      %ne3A_559 = arith.cmpi ne, %sign3A_551, %sign3A_558 : i32
      %rem3A_560 = arith.remsi %add3A_542, %jit3A_543 : i32
      %ne3A_561 = arith.constant 0 : i32
      %ne3A_562 = arith.cmpi ne, %rem3A_560, %ne3A_561 : i32
      %and3A_563 = arith.andi %ne3A_559, %ne3A_562 : i1
      %sub3A_564 = arith.constant 1 : i32
      %sub3A_565 = arith.subi %div3A_544, %sub3A_564 : i32
      %select_n3A_566 = arith.select %and3A_563, %sub3A_565, %div3A_544 : i32
      %jit3A_567 = arith.constant 32 : i32
      %eq3A_568 = arith.constant 0 : i32
      %eq3A_569 = arith.cmpi eq, %jit3A_567, %eq3A_568 : i32
      %jit3A_570 = arith.constant 1 : i32
      %select_n3A_571 = arith.select %eq3A_569, %jit3A_570, %jit3A_567 : i32
      %rem3A_572 = arith.remsi %add3A_542, %select_n3A_571 : i32
      %ne3A_573 = arith.constant 0 : i32
      %ne3A_574 = arith.cmpi ne, %rem3A_572, %ne3A_573 : i32
      %lt3A_575 = arith.constant 0 : i32
      %lt3A_576 = arith.cmpi slt, %rem3A_572, %lt3A_575 : i32
      %lt3A_577 = arith.constant 0 : i32
      %lt3A_578 = arith.cmpi slt, %select_n3A_571, %lt3A_577 : i32
      %ne3A_579 = arith.xori %lt3A_576, %lt3A_578 : i1
      %and3A_580 = arith.andi %ne3A_579, %ne3A_574 : i1
      %add3A_581 = arith.addi %rem3A_572, %select_n3A_571 : i32
      %select_n3A_582 = arith.select %and3A_580, %add3A_581, %rem3A_572 : i32
      %dma_start3A_583 = arith.constant 0 : i32
      %dma_start3A_584 = arith.constant 0 : i32
      %dma_start3A_585 = arith.constant 0 : i32
      %dma_start3A_586 = tpu.memref_slice %arg9[%dma_start3A_584, %dma_start3A_585] : memref<64x129xf32, #tpu.memory_space<vmem>> -> memref<8x128xf32, #tpu.memory_space<vmem>>
      %dma_start3A_587 = arith.constant 0 : i32
      %dma_start3A_588 = arith.constant 0 : i32
      %dma_start3A_589 = tpu.memref_slice %arg4[%select_n3A_566, %dma_start3A_583, %select_n3A_582, %dma_start3A_587, %dma_start3A_588] : memref<50x8x32x8x128xf32, #tpu.memory_space<hbm>> -> memref<1x1x1x8x128xf32, #tpu.memory_space<hbm>>
      %dma_start3A_590 = tpu.memref_squeeze %dma_start3A_589 : memref<1x1x1x8x128xf32, #tpu.memory_space<hbm>> -> memref<8x128xf32, #tpu.memory_space<hbm>>
      %dma_start3A_591 = arith.constant 0 : i32
      %dma_start3A_592 = arith.constant 0 : i32
      %dma_start3A_593 = tpu.memref_slice %arg4[%select_n3A_566, %dma_start3A_583, %select_n3A_582, %dma_start3A_591, %dma_start3A_592] : memref<50x8x32x8x128xf32, #tpu.memory_space<hbm>> -> memref<1x1x1x8x128xf32, #tpu.memory_space<hbm>>
      %dma_start3A_594 = tpu.memref_squeeze %dma_start3A_593 : memref<1x1x1x8x128xf32, #tpu.memory_space<hbm>> -> memref<8x128xf32, #tpu.memory_space<hbm>>
      %dma_start3A_595 = arith.constant 0 : i32
      %dma_start3A_596 = arith.constant 0 : i32
      %dma_start3A_597 = tpu.memref_slice %arg9[%dma_start3A_595, %dma_start3A_596] : memref<64x129xf32, #tpu.memory_space<vmem>> -> memref<8x128xf32, #tpu.memory_space<vmem>>
      tpu.enqueue_dma source(%dma_start3A_597 : memref<8x128xf32, #tpu.memory_space<vmem>>) target(%dma_start3A_594 : memref<8x128xf32, #tpu.memory_space<hbm>>) target_semaphore(%arg13 : memref<!tpu.dma_semaphore, #tpu.memory_space<semaphore_mem>>)
      %dma_start3A_598 = arith.constant 1 : i32
      %dma_start3A_599 = arith.constant 8 : i32
      %dma_start3A_600 = arith.constant 0 : i32
      %dma_start3A_601 = tpu.memref_slice %arg9[%dma_start3A_599, %dma_start3A_600] : memref<64x129xf32, #tpu.memory_space<vmem>> -> memref<8x128xf32, #tpu.memory_space<vmem>>
      %dma_start3A_602 = arith.constant 0 : i32
      %dma_start3A_603 = arith.constant 0 : i32
      %dma_start3A_604 = tpu.memref_slice %arg4[%select_n3A_566, %dma_start3A_598, %select_n3A_582, %dma_start3A_602, %dma_start3A_603] : memref<50x8x32x8x128xf32, #tpu.memory_space<hbm>> -> memref<1x1x1x8x128xf32, #tpu.memory_space<hbm>>
      %dma_start3A_605 = tpu.memref_squeeze %dma_start3A_604 : memref<1x1x1x8x128xf32, #tpu.memory_space<hbm>> -> memref<8x128xf32, #tpu.memory_space<hbm>>
      %dma_start3A_606 = arith.constant 0 : i32
      %dma_start3A_607 = arith.constant 0 : i32
      %dma_start3A_608 = tpu.memref_slice %arg4[%select_n3A_566, %dma_start3A_598, %select_n3A_582, %dma_start3A_606, %dma_start3A_607] : memref<50x8x32x8x128xf32, #tpu.memory_space<hbm>> -> memref<1x1x1x8x128xf32, #tpu.memory_space<hbm>>
      %dma_start3A_609 = tpu.memref_squeeze %dma_start3A_608 : memref<1x1x1x8x128xf32, #tpu.memory_space<hbm>> -> memref<8x128xf32, #tpu.memory_space<hbm>>
      %dma_start3A_610 = arith.constant 8 : i32
      %dma_start3A_611 = arith.constant 0 : i32
      %dma_start3A_612 = tpu.memref_slice %arg9[%dma_start3A_610, %dma_start3A_611] : memref<64x129xf32, #tpu.memory_space<vmem>> -> memref<8x128xf32, #tpu.memory_space<vmem>>
      tpu.enqueue_dma source(%dma_start3A_612 : memref<8x128xf32, #tpu.memory_space<vmem>>) target(%dma_start3A_609 : memref<8x128xf32, #tpu.memory_space<hbm>>) target_semaphore(%arg13 : memref<!tpu.dma_semaphore, #tpu.memory_space<semaphore_mem>>)
      %dma_start3A_613 = arith.constant 2 : i32
      %dma_start3A_614 = arith.constant 16 : i32
      %dma_start3A_615 = arith.constant 0 : i32
      %dma_start3A_616 = tpu.memref_slice %arg9[%dma_start3A_614, %dma_start3A_615] : memref<64x129xf32, #tpu.memory_space<vmem>> -> memref<8x128xf32, #tpu.memory_space<vmem>>
      %dma_start3A_617 = arith.constant 0 : i32
      %dma_start3A_618 = arith.constant 0 : i32
      %dma_start3A_619 = tpu.memref_slice %arg4[%select_n3A_566, %dma_start3A_613, %select_n3A_582, %dma_start3A_617, %dma_start3A_618] : memref<50x8x32x8x128xf32, #tpu.memory_space<hbm>> -> memref<1x1x1x8x128xf32, #tpu.memory_space<hbm>>
      %dma_start3A_620 = tpu.memref_squeeze %dma_start3A_619 : memref<1x1x1x8x128xf32, #tpu.memory_space<hbm>> -> memref<8x128xf32, #tpu.memory_space<hbm>>
      %dma_start3A_621 = arith.constant 0 : i32
      %dma_start3A_622 = arith.constant 0 : i32
      %dma_start3A_623 = tpu.memref_slice %arg4[%select_n3A_566, %dma_start3A_613, %select_n3A_582, %dma_start3A_621, %dma_start3A_622] : memref<50x8x32x8x128xf32, #tpu.memory_space<hbm>> -> memref<1x1x1x8x128xf32, #tpu.memory_space<hbm>>
      %dma_start3A_624 = tpu.memref_squeeze %dma_start3A_623 : memref<1x1x1x8x128xf32, #tpu.memory_space<hbm>> -> memref<8x128xf32, #tpu.memory_space<hbm>>
      %dma_start3A_625 = arith.constant 16 : i32
      %dma_start3A_626 = arith.constant 0 : i32
      %dma_start3A_627 = tpu.memref_slice %arg9[%dma_start3A_625, %dma_start3A_626] : memref<64x129xf32, #tpu.memory_space<vmem>> -> memref<8x128xf32, #tpu.memory_space<vmem>>
      tpu.enqueue_dma source(%dma_start3A_627 : memref<8x128xf32, #tpu.memory_space<vmem>>) target(%dma_start3A_624 : memref<8x128xf32, #tpu.memory_space<hbm>>) target_semaphore(%arg13 : memref<!tpu.dma_semaphore, #tpu.memory_space<semaphore_mem>>)
      %dma_start3A_628 = arith.constant 3 : i32
      %dma_start3A_629 = arith.constant 24 : i32
      %dma_start3A_630 = arith.constant 0 : i32
      %dma_start3A_631 = tpu.memref_slice %arg9[%dma_start3A_629, %dma_start3A_630] : memref<64x129xf32, #tpu.memory_space<vmem>> -> memref<8x128xf32, #tpu.memory_space<vmem>>
      %dma_start3A_632 = arith.constant 0 : i32
      %dma_start3A_633 = arith.constant 0 : i32
      %dma_start3A_634 = tpu.memref_slice %arg4[%select_n3A_566, %dma_start3A_628, %select_n3A_582, %dma_start3A_632, %dma_start3A_633] : memref<50x8x32x8x128xf32, #tpu.memory_space<hbm>> -> memref<1x1x1x8x128xf32, #tpu.memory_space<hbm>>
      %dma_start3A_635 = tpu.memref_squeeze %dma_start3A_634 : memref<1x1x1x8x128xf32, #tpu.memory_space<hbm>> -> memref<8x128xf32, #tpu.memory_space<hbm>>
      %dma_start3A_636 = arith.constant 0 : i32
      %dma_start3A_637 = arith.constant 0 : i32
      %dma_start3A_638 = tpu.memref_slice %arg4[%select_n3A_566, %dma_start3A_628, %select_n3A_582, %dma_start3A_636, %dma_start3A_637] : memref<50x8x32x8x128xf32, #tpu.memory_space<hbm>> -> memref<1x1x1x8x128xf32, #tpu.memory_space<hbm>>
      %dma_start3A_639 = tpu.memref_squeeze %dma_start3A_638 : memref<1x1x1x8x128xf32, #tpu.memory_space<hbm>> -> memref<8x128xf32, #tpu.memory_space<hbm>>
      %dma_start3A_640 = arith.constant 24 : i32
      %dma_start3A_641 = arith.constant 0 : i32
      %dma_start3A_642 = tpu.memref_slice %arg9[%dma_start3A_640, %dma_start3A_641] : memref<64x129xf32, #tpu.memory_space<vmem>> -> memref<8x128xf32, #tpu.memory_space<vmem>>
      tpu.enqueue_dma source(%dma_start3A_642 : memref<8x128xf32, #tpu.memory_space<vmem>>) target(%dma_start3A_639 : memref<8x128xf32, #tpu.memory_space<hbm>>) target_semaphore(%arg13 : memref<!tpu.dma_semaphore, #tpu.memory_space<semaphore_mem>>)
      %dma_start3A_643 = arith.constant 4 : i32
      %dma_start3A_644 = arith.constant 32 : i32
      %dma_start3A_645 = arith.constant 0 : i32
      %dma_start3A_646 = tpu.memref_slice %arg9[%dma_start3A_644, %dma_start3A_645] : memref<64x129xf32, #tpu.memory_space<vmem>> -> memref<8x128xf32, #tpu.memory_space<vmem>>
      %dma_start3A_647 = arith.constant 0 : i32
      %dma_start3A_648 = arith.constant 0 : i32
      %dma_start3A_649 = tpu.memref_slice %arg4[%select_n3A_566, %dma_start3A_643, %select_n3A_582, %dma_start3A_647, %dma_start3A_648] : memref<50x8x32x8x128xf32, #tpu.memory_space<hbm>> -> memref<1x1x1x8x128xf32, #tpu.memory_space<hbm>>
      %dma_start3A_650 = tpu.memref_squeeze %dma_start3A_649 : memref<1x1x1x8x128xf32, #tpu.memory_space<hbm>> -> memref<8x128xf32, #tpu.memory_space<hbm>>
      %dma_start3A_651 = arith.constant 0 : i32
      %dma_start3A_652 = arith.constant 0 : i32
      %dma_start3A_653 = tpu.memref_slice %arg4[%select_n3A_566, %dma_start3A_643, %select_n3A_582, %dma_start3A_651, %dma_start3A_652] : memref<50x8x32x8x128xf32, #tpu.memory_space<hbm>> -> memref<1x1x1x8x128xf32, #tpu.memory_space<hbm>>
      %dma_start3A_654 = tpu.memref_squeeze %dma_start3A_653 : memref<1x1x1x8x128xf32, #tpu.memory_space<hbm>> -> memref<8x128xf32, #tpu.memory_space<hbm>>
      %dma_start3A_655 = arith.constant 32 : i32
      %dma_start3A_656 = arith.constant 0 : i32
      %dma_start3A_657 = tpu.memref_slice %arg9[%dma_start3A_655, %dma_start3A_656] : memref<64x129xf32, #tpu.memory_space<vmem>> -> memref<8x128xf32, #tpu.memory_space<vmem>>
      tpu.enqueue_dma source(%dma_start3A_657 : memref<8x128xf32, #tpu.memory_space<vmem>>) target(%dma_start3A_654 : memref<8x128xf32, #tpu.memory_space<hbm>>) target_semaphore(%arg13 : memref<!tpu.dma_semaphore, #tpu.memory_space<semaphore_mem>>)
      %dma_start3A_658 = arith.constant 5 : i32
      %dma_start3A_659 = arith.constant 40 : i32
      %dma_start3A_660 = arith.constant 0 : i32
      %dma_start3A_661 = tpu.memref_slice %arg9[%dma_start3A_659, %dma_start3A_660] : memref<64x129xf32, #tpu.memory_space<vmem>> -> memref<8x128xf32, #tpu.memory_space<vmem>>
      %dma_start3A_662 = arith.constant 0 : i32
      %dma_start3A_663 = arith.constant 0 : i32
      %dma_start3A_664 = tpu.memref_slice %arg4[%select_n3A_566, %dma_start3A_658, %select_n3A_582, %dma_start3A_662, %dma_start3A_663] : memref<50x8x32x8x128xf32, #tpu.memory_space<hbm>> -> memref<1x1x1x8x128xf32, #tpu.memory_space<hbm>>
      %dma_start3A_665 = tpu.memref_squeeze %dma_start3A_664 : memref<1x1x1x8x128xf32, #tpu.memory_space<hbm>> -> memref<8x128xf32, #tpu.memory_space<hbm>>
      %dma_start3A_666 = arith.constant 0 : i32
      %dma_start3A_667 = arith.constant 0 : i32
      %dma_start3A_668 = tpu.memref_slice %arg4[%select_n3A_566, %dma_start3A_658, %select_n3A_582, %dma_start3A_666, %dma_start3A_667] : memref<50x8x32x8x128xf32, #tpu.memory_space<hbm>> -> memref<1x1x1x8x128xf32, #tpu.memory_space<hbm>>
      %dma_start3A_669 = tpu.memref_squeeze %dma_start3A_668 : memref<1x1x1x8x128xf32, #tpu.memory_space<hbm>> -> memref<8x128xf32, #tpu.memory_space<hbm>>
      %dma_start3A_670 = arith.constant 40 : i32
      %dma_start3A_671 = arith.constant 0 : i32
      %dma_start3A_672 = tpu.memref_slice %arg9[%dma_start3A_670, %dma_start3A_671] : memref<64x129xf32, #tpu.memory_space<vmem>> -> memref<8x128xf32, #tpu.memory_space<vmem>>
      tpu.enqueue_dma source(%dma_start3A_672 : memref<8x128xf32, #tpu.memory_space<vmem>>) target(%dma_start3A_669 : memref<8x128xf32, #tpu.memory_space<hbm>>) target_semaphore(%arg13 : memref<!tpu.dma_semaphore, #tpu.memory_space<semaphore_mem>>)
      %dma_start3A_673 = arith.constant 6 : i32
      %dma_start3A_674 = arith.constant 48 : i32
      %dma_start3A_675 = arith.constant 0 : i32
      %dma_start3A_676 = tpu.memref_slice %arg9[%dma_start3A_674, %dma_start3A_675] : memref<64x129xf32, #tpu.memory_space<vmem>> -> memref<8x128xf32, #tpu.memory_space<vmem>>
      %dma_start3A_677 = arith.constant 0 : i32
      %dma_start3A_678 = arith.constant 0 : i32
      %dma_start3A_679 = tpu.memref_slice %arg4[%select_n3A_566, %dma_start3A_673, %select_n3A_582, %dma_start3A_677, %dma_start3A_678] : memref<50x8x32x8x128xf32, #tpu.memory_space<hbm>> -> memref<1x1x1x8x128xf32, #tpu.memory_space<hbm>>
      %dma_start3A_680 = tpu.memref_squeeze %dma_start3A_679 : memref<1x1x1x8x128xf32, #tpu.memory_space<hbm>> -> memref<8x128xf32, #tpu.memory_space<hbm>>
      %dma_start3A_681 = arith.constant 0 : i32
      %dma_start3A_682 = arith.constant 0 : i32
      %dma_start3A_683 = tpu.memref_slice %arg4[%select_n3A_566, %dma_start3A_673, %select_n3A_582, %dma_start3A_681, %dma_start3A_682] : memref<50x8x32x8x128xf32, #tpu.memory_space<hbm>> -> memref<1x1x1x8x128xf32, #tpu.memory_space<hbm>>
      %dma_start3A_684 = tpu.memref_squeeze %dma_start3A_683 : memref<1x1x1x8x128xf32, #tpu.memory_space<hbm>> -> memref<8x128xf32, #tpu.memory_space<hbm>>
      %dma_start3A_685 = arith.constant 48 : i32
      %dma_start3A_686 = arith.constant 0 : i32
      %dma_start3A_687 = tpu.memref_slice %arg9[%dma_start3A_685, %dma_start3A_686] : memref<64x129xf32, #tpu.memory_space<vmem>> -> memref<8x128xf32, #tpu.memory_space<vmem>>
      tpu.enqueue_dma source(%dma_start3A_687 : memref<8x128xf32, #tpu.memory_space<vmem>>) target(%dma_start3A_684 : memref<8x128xf32, #tpu.memory_space<hbm>>) target_semaphore(%arg13 : memref<!tpu.dma_semaphore, #tpu.memory_space<semaphore_mem>>)
      %dma_start3A_688 = arith.constant 7 : i32
      %dma_start3A_689 = arith.constant 56 : i32
      %dma_start3A_690 = arith.constant 0 : i32
      %dma_start3A_691 = tpu.memref_slice %arg9[%dma_start3A_689, %dma_start3A_690] : memref<64x129xf32, #tpu.memory_space<vmem>> -> memref<8x128xf32, #tpu.memory_space<vmem>>
      %dma_start3A_692 = arith.constant 0 : i32
      %dma_start3A_693 = arith.constant 0 : i32
      %dma_start3A_694 = tpu.memref_slice %arg4[%select_n3A_566, %dma_start3A_688, %select_n3A_582, %dma_start3A_692, %dma_start3A_693] : memref<50x8x32x8x128xf32, #tpu.memory_space<hbm>> -> memref<1x1x1x8x128xf32, #tpu.memory_space<hbm>>
      %dma_start3A_695 = tpu.memref_squeeze %dma_start3A_694 : memref<1x1x1x8x128xf32, #tpu.memory_space<hbm>> -> memref<8x128xf32, #tpu.memory_space<hbm>>
      %dma_start3A_696 = arith.constant 0 : i32
      %dma_start3A_697 = arith.constant 0 : i32
      %dma_start3A_698 = tpu.memref_slice %arg4[%select_n3A_566, %dma_start3A_688, %select_n3A_582, %dma_start3A_696, %dma_start3A_697] : memref<50x8x32x8x128xf32, #tpu.memory_space<hbm>> -> memref<1x1x1x8x128xf32, #tpu.memory_space<hbm>>
      %dma_start3A_699 = tpu.memref_squeeze %dma_start3A_698 : memref<1x1x1x8x128xf32, #tpu.memory_space<hbm>> -> memref<8x128xf32, #tpu.memory_space<hbm>>
      %dma_start3A_700 = arith.constant 56 : i32
      %dma_start3A_701 = arith.constant 0 : i32
      %dma_start3A_702 = tpu.memref_slice %arg9[%dma_start3A_700, %dma_start3A_701] : memref<64x129xf32, #tpu.memory_space<vmem>> -> memref<8x128xf32, #tpu.memory_space<vmem>>
      tpu.enqueue_dma source(%dma_start3A_702 : memref<8x128xf32, #tpu.memory_space<vmem>>) target(%dma_start3A_699 : memref<8x128xf32, #tpu.memory_space<hbm>>) target_semaphore(%arg13 : memref<!tpu.dma_semaphore, #tpu.memory_space<semaphore_mem>>)
    }
    %scan3A_25 = arith.constant 25 : i32
    %add3A_26 = arith.constant 48 : i32
    %add3A_27 = arith.addi %mul3A_2, %add3A_26 : i32
    %jit3A = arith.constant 32 : i32
    %div3A = arith.divsi %add3A_27, %jit3A : i32
    %sign3A = arith.constant 0 : i32
    %sign3A_28 = arith.cmpi sgt, %add3A_27, %sign3A : i32
    %sign3A_29 = arith.extui %sign3A_28 : i1 to i32
    %sign3A_30 = arith.constant 0 : i32
    %sign3A_31 = arith.cmpi slt, %add3A_27, %sign3A_30 : i32
    %sign3A_32 = arith.extui %sign3A_31 : i1 to i32
    %sign3A_33 = arith.subi %sign3A_29, %sign3A_32 : i32
    %sign3A_34 = arith.constant 0 : i32
    %sign3A_35 = arith.cmpi sgt, %jit3A, %sign3A_34 : i32
    %sign3A_36 = arith.extui %sign3A_35 : i1 to i32
    %sign3A_37 = arith.constant 0 : i32
    %sign3A_38 = arith.cmpi slt, %jit3A, %sign3A_37 : i32
    %sign3A_39 = arith.extui %sign3A_38 : i1 to i32
    %sign3A_40 = arith.subi %sign3A_36, %sign3A_39 : i32
    %ne3A = arith.cmpi ne, %sign3A_33, %sign3A_40 : i32
    %rem3A = arith.remsi %add3A_27, %jit3A : i32
    %ne3A_41 = arith.constant 0 : i32
    %ne3A_42 = arith.cmpi ne, %rem3A, %ne3A_41 : i32
    %and3A = arith.andi %ne3A, %ne3A_42 : i1
    %sub3A = arith.constant 1 : i32
    %sub3A_43 = arith.subi %div3A, %sub3A : i32
    %select_n3A = arith.select %and3A, %sub3A_43, %div3A : i32
    %jit3A_44 = arith.constant 32 : i32
    %eq3A = arith.constant 0 : i32
    %eq3A_45 = arith.cmpi eq, %jit3A_44, %eq3A : i32
    %jit3A_46 = arith.constant 1 : i32
    %select_n3A_47 = arith.select %eq3A_45, %jit3A_46, %jit3A_44 : i32
    %rem3A_48 = arith.remsi %add3A_27, %select_n3A_47 : i32
    %ne3A_49 = arith.constant 0 : i32
    %ne3A_50 = arith.cmpi ne, %rem3A_48, %ne3A_49 : i32
    %lt3A = arith.constant 0 : i32
    %lt3A_51 = arith.cmpi slt, %rem3A_48, %lt3A : i32
    %lt3A_52 = arith.constant 0 : i32
    %lt3A_53 = arith.cmpi slt, %select_n3A_47, %lt3A_52 : i32
    %ne3A_54 = arith.xori %lt3A_51, %lt3A_53 : i1
    %and3A_55 = arith.andi %ne3A_54, %ne3A_50 : i1
    %add3A_56 = arith.addi %rem3A_48, %select_n3A_47 : i32
    %select_n3A_57 = arith.select %and3A_55, %add3A_56, %rem3A_48 : i32
    %dma_wait3A = arith.constant 0 : i32
    %dma_wait3A_58 = arith.constant 0 : i32
    %dma_wait3A_59 = arith.constant 0 : i32
    %dma_wait3A_60 = tpu.memref_slice %arg8[%dma_wait3A_58, %dma_wait3A_59] : memref<64x129xf32, #tpu.memory_space<vmem>> -> memref<8x128xf32, #tpu.memory_space<vmem>>
    %dma_wait3A_61 = arith.constant 0 : i32
    %dma_wait3A_62 = arith.constant 0 : i32
    %dma_wait3A_63 = tpu.memref_slice %arg4[%select_n3A, %dma_wait3A, %select_n3A_57, %dma_wait3A_61, %dma_wait3A_62] : memref<50x8x32x8x128xf32, #tpu.memory_space<hbm>> -> memref<1x1x1x8x128xf32, #tpu.memory_space<hbm>>
    %dma_wait3A_64 = tpu.memref_squeeze %dma_wait3A_63 : memref<1x1x1x8x128xf32, #tpu.memory_space<hbm>> -> memref<8x128xf32, #tpu.memory_space<hbm>>
    %dma_wait3A_65 = arith.constant 0 : i32
    %dma_wait3A_66 = arith.constant 0 : i32
    %dma_wait3A_67 = tpu.memref_slice %arg4[%select_n3A, %dma_wait3A, %select_n3A_57, %dma_wait3A_65, %dma_wait3A_66] : memref<50x8x32x8x128xf32, #tpu.memory_space<hbm>> -> memref<1x1x1x8x128xf32, #tpu.memory_space<hbm>>
    %dma_wait3A_68 = tpu.memref_squeeze %dma_wait3A_67 : memref<1x1x1x8x128xf32, #tpu.memory_space<hbm>> -> memref<8x128xf32, #tpu.memory_space<hbm>>
    %dma_wait3A_69 = arith.constant 0 : i32
    %dma_wait3A_70 = arith.constant 0 : i32
    %dma_wait3A_71 = tpu.memref_slice %arg8[%dma_wait3A_69, %dma_wait3A_70] : memref<64x129xf32, #tpu.memory_space<vmem>> -> memref<8x128xf32, #tpu.memory_space<vmem>>
    tpu.wait_dma2 semaphore(%arg12 : memref<!tpu.dma_semaphore, #tpu.memory_space<semaphore_mem>>) src(%dma_wait3A_71 : memref<8x128xf32, #tpu.memory_space<vmem>>) dst(%dma_wait3A_68 : memref<8x128xf32, #tpu.memory_space<hbm>>)
    %dma_wait3A_72 = arith.constant 1 : i32
    %dma_wait3A_73 = arith.constant 8 : i32
    %dma_wait3A_74 = arith.constant 0 : i32
    %dma_wait3A_75 = tpu.memref_slice %arg8[%dma_wait3A_73, %dma_wait3A_74] : memref<64x129xf32, #tpu.memory_space<vmem>> -> memref<8x128xf32, #tpu.memory_space<vmem>>
    %dma_wait3A_76 = arith.constant 0 : i32
    %dma_wait3A_77 = arith.constant 0 : i32
    %dma_wait3A_78 = tpu.memref_slice %arg4[%select_n3A, %dma_wait3A_72, %select_n3A_57, %dma_wait3A_76, %dma_wait3A_77] : memref<50x8x32x8x128xf32, #tpu.memory_space<hbm>> -> memref<1x1x1x8x128xf32, #tpu.memory_space<hbm>>
    %dma_wait3A_79 = tpu.memref_squeeze %dma_wait3A_78 : memref<1x1x1x8x128xf32, #tpu.memory_space<hbm>> -> memref<8x128xf32, #tpu.memory_space<hbm>>
    %dma_wait3A_80 = arith.constant 0 : i32
    %dma_wait3A_81 = arith.constant 0 : i32
    %dma_wait3A_82 = tpu.memref_slice %arg4[%select_n3A, %dma_wait3A_72, %select_n3A_57, %dma_wait3A_80, %dma_wait3A_81] : memref<50x8x32x8x128xf32, #tpu.memory_space<hbm>> -> memref<1x1x1x8x128xf32, #tpu.memory_space<hbm>>
    %dma_wait3A_83 = tpu.memref_squeeze %dma_wait3A_82 : memref<1x1x1x8x128xf32, #tpu.memory_space<hbm>> -> memref<8x128xf32, #tpu.memory_space<hbm>>
    %dma_wait3A_84 = arith.constant 8 : i32
    %dma_wait3A_85 = arith.constant 0 : i32
    %dma_wait3A_86 = tpu.memref_slice %arg8[%dma_wait3A_84, %dma_wait3A_85] : memref<64x129xf32, #tpu.memory_space<vmem>> -> memref<8x128xf32, #tpu.memory_space<vmem>>
    tpu.wait_dma2 semaphore(%arg12 : memref<!tpu.dma_semaphore, #tpu.memory_space<semaphore_mem>>) src(%dma_wait3A_86 : memref<8x128xf32, #tpu.memory_space<vmem>>) dst(%dma_wait3A_83 : memref<8x128xf32, #tpu.memory_space<hbm>>)
    %dma_wait3A_87 = arith.constant 2 : i32
    %dma_wait3A_88 = arith.constant 16 : i32
    %dma_wait3A_89 = arith.constant 0 : i32
    %dma_wait3A_90 = tpu.memref_slice %arg8[%dma_wait3A_88, %dma_wait3A_89] : memref<64x129xf32, #tpu.memory_space<vmem>> -> memref<8x128xf32, #tpu.memory_space<vmem>>
    %dma_wait3A_91 = arith.constant 0 : i32
    %dma_wait3A_92 = arith.constant 0 : i32
    %dma_wait3A_93 = tpu.memref_slice %arg4[%select_n3A, %dma_wait3A_87, %select_n3A_57, %dma_wait3A_91, %dma_wait3A_92] : memref<50x8x32x8x128xf32, #tpu.memory_space<hbm>> -> memref<1x1x1x8x128xf32, #tpu.memory_space<hbm>>
    %dma_wait3A_94 = tpu.memref_squeeze %dma_wait3A_93 : memref<1x1x1x8x128xf32, #tpu.memory_space<hbm>> -> memref<8x128xf32, #tpu.memory_space<hbm>>
    %dma_wait3A_95 = arith.constant 0 : i32
    %dma_wait3A_96 = arith.constant 0 : i32
    %dma_wait3A_97 = tpu.memref_slice %arg4[%select_n3A, %dma_wait3A_87, %select_n3A_57, %dma_wait3A_95, %dma_wait3A_96] : memref<50x8x32x8x128xf32, #tpu.memory_space<hbm>> -> memref<1x1x1x8x128xf32, #tpu.memory_space<hbm>>
    %dma_wait3A_98 = tpu.memref_squeeze %dma_wait3A_97 : memref<1x1x1x8x128xf32, #tpu.memory_space<hbm>> -> memref<8x128xf32, #tpu.memory_space<hbm>>
    %dma_wait3A_99 = arith.constant 16 : i32
    %dma_wait3A_100 = arith.constant 0 : i32
    %dma_wait3A_101 = tpu.memref_slice %arg8[%dma_wait3A_99, %dma_wait3A_100] : memref<64x129xf32, #tpu.memory_space<vmem>> -> memref<8x128xf32, #tpu.memory_space<vmem>>
    tpu.wait_dma2 semaphore(%arg12 : memref<!tpu.dma_semaphore, #tpu.memory_space<semaphore_mem>>) src(%dma_wait3A_101 : memref<8x128xf32, #tpu.memory_space<vmem>>) dst(%dma_wait3A_98 : memref<8x128xf32, #tpu.memory_space<hbm>>)
    %dma_wait3A_102 = arith.constant 3 : i32
    %dma_wait3A_103 = arith.constant 24 : i32
    %dma_wait3A_104 = arith.constant 0 : i32
    %dma_wait3A_105 = tpu.memref_slice %arg8[%dma_wait3A_103, %dma_wait3A_104] : memref<64x129xf32, #tpu.memory_space<vmem>> -> memref<8x128xf32, #tpu.memory_space<vmem>>
    %dma_wait3A_106 = arith.constant 0 : i32
    %dma_wait3A_107 = arith.constant 0 : i32
    %dma_wait3A_108 = tpu.memref_slice %arg4[%select_n3A, %dma_wait3A_102, %select_n3A_57, %dma_wait3A_106, %dma_wait3A_107] : memref<50x8x32x8x128xf32, #tpu.memory_space<hbm>> -> memref<1x1x1x8x128xf32, #tpu.memory_space<hbm>>
    %dma_wait3A_109 = tpu.memref_squeeze %dma_wait3A_108 : memref<1x1x1x8x128xf32, #tpu.memory_space<hbm>> -> memref<8x128xf32, #tpu.memory_space<hbm>>
    %dma_wait3A_110 = arith.constant 0 : i32
    %dma_wait3A_111 = arith.constant 0 : i32
    %dma_wait3A_112 = tpu.memref_slice %arg4[%select_n3A, %dma_wait3A_102, %select_n3A_57, %dma_wait3A_110, %dma_wait3A_111] : memref<50x8x32x8x128xf32, #tpu.memory_space<hbm>> -> memref<1x1x1x8x128xf32, #tpu.memory_space<hbm>>
    %dma_wait3A_113 = tpu.memref_squeeze %dma_wait3A_112 : memref<1x1x1x8x128xf32, #tpu.memory_space<hbm>> -> memref<8x128xf32, #tpu.memory_space<hbm>>
    %dma_wait3A_114 = arith.constant 24 : i32
    %dma_wait3A_115 = arith.constant 0 : i32
    %dma_wait3A_116 = tpu.memref_slice %arg8[%dma_wait3A_114, %dma_wait3A_115] : memref<64x129xf32, #tpu.memory_space<vmem>> -> memref<8x128xf32, #tpu.memory_space<vmem>>
    tpu.wait_dma2 semaphore(%arg12 : memref<!tpu.dma_semaphore, #tpu.memory_space<semaphore_mem>>) src(%dma_wait3A_116 : memref<8x128xf32, #tpu.memory_space<vmem>>) dst(%dma_wait3A_113 : memref<8x128xf32, #tpu.memory_space<hbm>>)
    %dma_wait3A_117 = arith.constant 4 : i32
    %dma_wait3A_118 = arith.constant 32 : i32
    %dma_wait3A_119 = arith.constant 0 : i32
    %dma_wait3A_120 = tpu.memref_slice %arg8[%dma_wait3A_118, %dma_wait3A_119] : memref<64x129xf32, #tpu.memory_space<vmem>> -> memref<8x128xf32, #tpu.memory_space<vmem>>
    %dma_wait3A_121 = arith.constant 0 : i32
    %dma_wait3A_122 = arith.constant 0 : i32
    %dma_wait3A_123 = tpu.memref_slice %arg4[%select_n3A, %dma_wait3A_117, %select_n3A_57, %dma_wait3A_121, %dma_wait3A_122] : memref<50x8x32x8x128xf32, #tpu.memory_space<hbm>> -> memref<1x1x1x8x128xf32, #tpu.memory_space<hbm>>
    %dma_wait3A_124 = tpu.memref_squeeze %dma_wait3A_123 : memref<1x1x1x8x128xf32, #tpu.memory_space<hbm>> -> memref<8x128xf32, #tpu.memory_space<hbm>>
    %dma_wait3A_125 = arith.constant 0 : i32
    %dma_wait3A_126 = arith.constant 0 : i32
    %dma_wait3A_127 = tpu.memref_slice %arg4[%select_n3A, %dma_wait3A_117, %select_n3A_57, %dma_wait3A_125, %dma_wait3A_126] : memref<50x8x32x8x128xf32, #tpu.memory_space<hbm>> -> memref<1x1x1x8x128xf32, #tpu.memory_space<hbm>>
    %dma_wait3A_128 = tpu.memref_squeeze %dma_wait3A_127 : memref<1x1x1x8x128xf32, #tpu.memory_space<hbm>> -> memref<8x128xf32, #tpu.memory_space<hbm>>
    %dma_wait3A_129 = arith.constant 32 : i32
    %dma_wait3A_130 = arith.constant 0 : i32
    %dma_wait3A_131 = tpu.memref_slice %arg8[%dma_wait3A_129, %dma_wait3A_130] : memref<64x129xf32, #tpu.memory_space<vmem>> -> memref<8x128xf32, #tpu.memory_space<vmem>>
    tpu.wait_dma2 semaphore(%arg12 : memref<!tpu.dma_semaphore, #tpu.memory_space<semaphore_mem>>) src(%dma_wait3A_131 : memref<8x128xf32, #tpu.memory_space<vmem>>) dst(%dma_wait3A_128 : memref<8x128xf32, #tpu.memory_space<hbm>>)
    %dma_wait3A_132 = arith.constant 5 : i32
    %dma_wait3A_133 = arith.constant 40 : i32
    %dma_wait3A_134 = arith.constant 0 : i32
    %dma_wait3A_135 = tpu.memref_slice %arg8[%dma_wait3A_133, %dma_wait3A_134] : memref<64x129xf32, #tpu.memory_space<vmem>> -> memref<8x128xf32, #tpu.memory_space<vmem>>
    %dma_wait3A_136 = arith.constant 0 : i32
    %dma_wait3A_137 = arith.constant 0 : i32
    %dma_wait3A_138 = tpu.memref_slice %arg4[%select_n3A, %dma_wait3A_132, %select_n3A_57, %dma_wait3A_136, %dma_wait3A_137] : memref<50x8x32x8x128xf32, #tpu.memory_space<hbm>> -> memref<1x1x1x8x128xf32, #tpu.memory_space<hbm>>
    %dma_wait3A_139 = tpu.memref_squeeze %dma_wait3A_138 : memref<1x1x1x8x128xf32, #tpu.memory_space<hbm>> -> memref<8x128xf32, #tpu.memory_space<hbm>>
    %dma_wait3A_140 = arith.constant 0 : i32
    %dma_wait3A_141 = arith.constant 0 : i32
    %dma_wait3A_142 = tpu.memref_slice %arg4[%select_n3A, %dma_wait3A_132, %select_n3A_57, %dma_wait3A_140, %dma_wait3A_141] : memref<50x8x32x8x128xf32, #tpu.memory_space<hbm>> -> memref<1x1x1x8x128xf32, #tpu.memory_space<hbm>>
    %dma_wait3A_143 = tpu.memref_squeeze %dma_wait3A_142 : memref<1x1x1x8x128xf32, #tpu.memory_space<hbm>> -> memref<8x128xf32, #tpu.memory_space<hbm>>
    %dma_wait3A_144 = arith.constant 40 : i32
    %dma_wait3A_145 = arith.constant 0 : i32
    %dma_wait3A_146 = tpu.memref_slice %arg8[%dma_wait3A_144, %dma_wait3A_145] : memref<64x129xf32, #tpu.memory_space<vmem>> -> memref<8x128xf32, #tpu.memory_space<vmem>>
    tpu.wait_dma2 semaphore(%arg12 : memref<!tpu.dma_semaphore, #tpu.memory_space<semaphore_mem>>) src(%dma_wait3A_146 : memref<8x128xf32, #tpu.memory_space<vmem>>) dst(%dma_wait3A_143 : memref<8x128xf32, #tpu.memory_space<hbm>>)
    %dma_wait3A_147 = arith.constant 6 : i32
    %dma_wait3A_148 = arith.constant 48 : i32
    %dma_wait3A_149 = arith.constant 0 : i32
    %dma_wait3A_150 = tpu.memref_slice %arg8[%dma_wait3A_148, %dma_wait3A_149] : memref<64x129xf32, #tpu.memory_space<vmem>> -> memref<8x128xf32, #tpu.memory_space<vmem>>
    %dma_wait3A_151 = arith.constant 0 : i32
    %dma_wait3A_152 = arith.constant 0 : i32
    %dma_wait3A_153 = tpu.memref_slice %arg4[%select_n3A, %dma_wait3A_147, %select_n3A_57, %dma_wait3A_151, %dma_wait3A_152] : memref<50x8x32x8x128xf32, #tpu.memory_space<hbm>> -> memref<1x1x1x8x128xf32, #tpu.memory_space<hbm>>
    %dma_wait3A_154 = tpu.memref_squeeze %dma_wait3A_153 : memref<1x1x1x8x128xf32, #tpu.memory_space<hbm>> -> memref<8x128xf32, #tpu.memory_space<hbm>>
    %dma_wait3A_155 = arith.constant 0 : i32
    %dma_wait3A_156 = arith.constant 0 : i32
    %dma_wait3A_157 = tpu.memref_slice %arg4[%select_n3A, %dma_wait3A_147, %select_n3A_57, %dma_wait3A_155, %dma_wait3A_156] : memref<50x8x32x8x128xf32, #tpu.memory_space<hbm>> -> memref<1x1x1x8x128xf32, #tpu.memory_space<hbm>>
    %dma_wait3A_158 = tpu.memref_squeeze %dma_wait3A_157 : memref<1x1x1x8x128xf32, #tpu.memory_space<hbm>> -> memref<8x128xf32, #tpu.memory_space<hbm>>
    %dma_wait3A_159 = arith.constant 48 : i32
    %dma_wait3A_160 = arith.constant 0 : i32
    %dma_wait3A_161 = tpu.memref_slice %arg8[%dma_wait3A_159, %dma_wait3A_160] : memref<64x129xf32, #tpu.memory_space<vmem>> -> memref<8x128xf32, #tpu.memory_space<vmem>>
    tpu.wait_dma2 semaphore(%arg12 : memref<!tpu.dma_semaphore, #tpu.memory_space<semaphore_mem>>) src(%dma_wait3A_161 : memref<8x128xf32, #tpu.memory_space<vmem>>) dst(%dma_wait3A_158 : memref<8x128xf32, #tpu.memory_space<hbm>>)
    %dma_wait3A_162 = arith.constant 7 : i32
    %dma_wait3A_163 = arith.constant 56 : i32
    %dma_wait3A_164 = arith.constant 0 : i32
    %dma_wait3A_165 = tpu.memref_slice %arg8[%dma_wait3A_163, %dma_wait3A_164] : memref<64x129xf32, #tpu.memory_space<vmem>> -> memref<8x128xf32, #tpu.memory_space<vmem>>
    %dma_wait3A_166 = arith.constant 0 : i32
    %dma_wait3A_167 = arith.constant 0 : i32
    %dma_wait3A_168 = tpu.memref_slice %arg4[%select_n3A, %dma_wait3A_162, %select_n3A_57, %dma_wait3A_166, %dma_wait3A_167] : memref<50x8x32x8x128xf32, #tpu.memory_space<hbm>> -> memref<1x1x1x8x128xf32, #tpu.memory_space<hbm>>
    %dma_wait3A_169 = tpu.memref_squeeze %dma_wait3A_168 : memref<1x1x1x8x128xf32, #tpu.memory_space<hbm>> -> memref<8x128xf32, #tpu.memory_space<hbm>>
    %dma_wait3A_170 = arith.constant 0 : i32
    %dma_wait3A_171 = arith.constant 0 : i32
    %dma_wait3A_172 = tpu.memref_slice %arg4[%select_n3A, %dma_wait3A_162, %select_n3A_57, %dma_wait3A_170, %dma_wait3A_171] : memref<50x8x32x8x128xf32, #tpu.memory_space<hbm>> -> memref<1x1x1x8x128xf32, #tpu.memory_space<hbm>>
    %dma_wait3A_173 = tpu.memref_squeeze %dma_wait3A_172 : memref<1x1x1x8x128xf32, #tpu.memory_space<hbm>> -> memref<8x128xf32, #tpu.memory_space<hbm>>
    %dma_wait3A_174 = arith.constant 56 : i32
    %dma_wait3A_175 = arith.constant 0 : i32
    %dma_wait3A_176 = tpu.memref_slice %arg8[%dma_wait3A_174, %dma_wait3A_175] : memref<64x129xf32, #tpu.memory_space<vmem>> -> memref<8x128xf32, #tpu.memory_space<vmem>>
    tpu.wait_dma2 semaphore(%arg12 : memref<!tpu.dma_semaphore, #tpu.memory_space<semaphore_mem>>) src(%dma_wait3A_176 : memref<8x128xf32, #tpu.memory_space<vmem>>) dst(%dma_wait3A_173 : memref<8x128xf32, #tpu.memory_space<hbm>>)
    %add3A_177 = arith.constant 49 : i32
    %add3A_178 = arith.addi %mul3A_2, %add3A_177 : i32
    %jit3A_179 = arith.constant 32 : i32
    %div3A_180 = arith.divsi %add3A_178, %jit3A_179 : i32
    %sign3A_181 = arith.constant 0 : i32
    %sign3A_182 = arith.cmpi sgt, %add3A_178, %sign3A_181 : i32
    %sign3A_183 = arith.extui %sign3A_182 : i1 to i32
    %sign3A_184 = arith.constant 0 : i32
    %sign3A_185 = arith.cmpi slt, %add3A_178, %sign3A_184 : i32
    %sign3A_186 = arith.extui %sign3A_185 : i1 to i32
    %sign3A_187 = arith.subi %sign3A_183, %sign3A_186 : i32
    %sign3A_188 = arith.constant 0 : i32
    %sign3A_189 = arith.cmpi sgt, %jit3A_179, %sign3A_188 : i32
    %sign3A_190 = arith.extui %sign3A_189 : i1 to i32
    %sign3A_191 = arith.constant 0 : i32
    %sign3A_192 = arith.cmpi slt, %jit3A_179, %sign3A_191 : i32
    %sign3A_193 = arith.extui %sign3A_192 : i1 to i32
    %sign3A_194 = arith.subi %sign3A_190, %sign3A_193 : i32
    %ne3A_195 = arith.cmpi ne, %sign3A_187, %sign3A_194 : i32
    %rem3A_196 = arith.remsi %add3A_178, %jit3A_179 : i32
    %ne3A_197 = arith.constant 0 : i32
    %ne3A_198 = arith.cmpi ne, %rem3A_196, %ne3A_197 : i32
    %and3A_199 = arith.andi %ne3A_195, %ne3A_198 : i1
    %sub3A_200 = arith.constant 1 : i32
    %sub3A_201 = arith.subi %div3A_180, %sub3A_200 : i32
    %select_n3A_202 = arith.select %and3A_199, %sub3A_201, %div3A_180 : i32
    %jit3A_203 = arith.constant 32 : i32
    %eq3A_204 = arith.constant 0 : i32
    %eq3A_205 = arith.cmpi eq, %jit3A_203, %eq3A_204 : i32
    %jit3A_206 = arith.constant 1 : i32
    %select_n3A_207 = arith.select %eq3A_205, %jit3A_206, %jit3A_203 : i32
    %rem3A_208 = arith.remsi %add3A_178, %select_n3A_207 : i32
    %ne3A_209 = arith.constant 0 : i32
    %ne3A_210 = arith.cmpi ne, %rem3A_208, %ne3A_209 : i32
    %lt3A_211 = arith.constant 0 : i32
    %lt3A_212 = arith.cmpi slt, %rem3A_208, %lt3A_211 : i32
    %lt3A_213 = arith.constant 0 : i32
    %lt3A_214 = arith.cmpi slt, %select_n3A_207, %lt3A_213 : i32
    %ne3A_215 = arith.xori %lt3A_212, %lt3A_214 : i1
    %and3A_216 = arith.andi %ne3A_215, %ne3A_210 : i1
    %add3A_217 = arith.addi %rem3A_208, %select_n3A_207 : i32
    %select_n3A_218 = arith.select %and3A_216, %add3A_217, %rem3A_208 : i32
    %dma_wait3A_219 = arith.constant 0 : i32
    %dma_wait3A_220 = arith.constant 0 : i32
    %dma_wait3A_221 = arith.constant 0 : i32
    %dma_wait3A_222 = tpu.memref_slice %arg9[%dma_wait3A_220, %dma_wait3A_221] : memref<64x129xf32, #tpu.memory_space<vmem>> -> memref<8x128xf32, #tpu.memory_space<vmem>>
    %dma_wait3A_223 = arith.constant 0 : i32
    %dma_wait3A_224 = arith.constant 0 : i32
    %dma_wait3A_225 = tpu.memref_slice %arg4[%select_n3A_202, %dma_wait3A_219, %select_n3A_218, %dma_wait3A_223, %dma_wait3A_224] : memref<50x8x32x8x128xf32, #tpu.memory_space<hbm>> -> memref<1x1x1x8x128xf32, #tpu.memory_space<hbm>>
    %dma_wait3A_226 = tpu.memref_squeeze %dma_wait3A_225 : memref<1x1x1x8x128xf32, #tpu.memory_space<hbm>> -> memref<8x128xf32, #tpu.memory_space<hbm>>
    %dma_wait3A_227 = arith.constant 0 : i32
    %dma_wait3A_228 = arith.constant 0 : i32
    %dma_wait3A_229 = tpu.memref_slice %arg4[%select_n3A_202, %dma_wait3A_219, %select_n3A_218, %dma_wait3A_227, %dma_wait3A_228] : memref<50x8x32x8x128xf32, #tpu.memory_space<hbm>> -> memref<1x1x1x8x128xf32, #tpu.memory_space<hbm>>
    %dma_wait3A_230 = tpu.memref_squeeze %dma_wait3A_229 : memref<1x1x1x8x128xf32, #tpu.memory_space<hbm>> -> memref<8x128xf32, #tpu.memory_space<hbm>>
    %dma_wait3A_231 = arith.constant 0 : i32
    %dma_wait3A_232 = arith.constant 0 : i32
    %dma_wait3A_233 = tpu.memref_slice %arg9[%dma_wait3A_231, %dma_wait3A_232] : memref<64x129xf32, #tpu.memory_space<vmem>> -> memref<8x128xf32, #tpu.memory_space<vmem>>
    tpu.wait_dma2 semaphore(%arg13 : memref<!tpu.dma_semaphore, #tpu.memory_space<semaphore_mem>>) src(%dma_wait3A_233 : memref<8x128xf32, #tpu.memory_space<vmem>>) dst(%dma_wait3A_230 : memref<8x128xf32, #tpu.memory_space<hbm>>)
    %dma_wait3A_234 = arith.constant 1 : i32
    %dma_wait3A_235 = arith.constant 8 : i32
    %dma_wait3A_236 = arith.constant 0 : i32
    %dma_wait3A_237 = tpu.memref_slice %arg9[%dma_wait3A_235, %dma_wait3A_236] : memref<64x129xf32, #tpu.memory_space<vmem>> -> memref<8x128xf32, #tpu.memory_space<vmem>>
    %dma_wait3A_238 = arith.constant 0 : i32
    %dma_wait3A_239 = arith.constant 0 : i32
    %dma_wait3A_240 = tpu.memref_slice %arg4[%select_n3A_202, %dma_wait3A_234, %select_n3A_218, %dma_wait3A_238, %dma_wait3A_239] : memref<50x8x32x8x128xf32, #tpu.memory_space<hbm>> -> memref<1x1x1x8x128xf32, #tpu.memory_space<hbm>>
    %dma_wait3A_241 = tpu.memref_squeeze %dma_wait3A_240 : memref<1x1x1x8x128xf32, #tpu.memory_space<hbm>> -> memref<8x128xf32, #tpu.memory_space<hbm>>
    %dma_wait3A_242 = arith.constant 0 : i32
    %dma_wait3A_243 = arith.constant 0 : i32
    %dma_wait3A_244 = tpu.memref_slice %arg4[%select_n3A_202, %dma_wait3A_234, %select_n3A_218, %dma_wait3A_242, %dma_wait3A_243] : memref<50x8x32x8x128xf32, #tpu.memory_space<hbm>> -> memref<1x1x1x8x128xf32, #tpu.memory_space<hbm>>
    %dma_wait3A_245 = tpu.memref_squeeze %dma_wait3A_244 : memref<1x1x1x8x128xf32, #tpu.memory_space<hbm>> -> memref<8x128xf32, #tpu.memory_space<hbm>>
    %dma_wait3A_246 = arith.constant 8 : i32
    %dma_wait3A_247 = arith.constant 0 : i32
    %dma_wait3A_248 = tpu.memref_slice %arg9[%dma_wait3A_246, %dma_wait3A_247] : memref<64x129xf32, #tpu.memory_space<vmem>> -> memref<8x128xf32, #tpu.memory_space<vmem>>
    tpu.wait_dma2 semaphore(%arg13 : memref<!tpu.dma_semaphore, #tpu.memory_space<semaphore_mem>>) src(%dma_wait3A_248 : memref<8x128xf32, #tpu.memory_space<vmem>>) dst(%dma_wait3A_245 : memref<8x128xf32, #tpu.memory_space<hbm>>)
    %dma_wait3A_249 = arith.constant 2 : i32
    %dma_wait3A_250 = arith.constant 16 : i32
    %dma_wait3A_251 = arith.constant 0 : i32
    %dma_wait3A_252 = tpu.memref_slice %arg9[%dma_wait3A_250, %dma_wait3A_251] : memref<64x129xf32, #tpu.memory_space<vmem>> -> memref<8x128xf32, #tpu.memory_space<vmem>>
    %dma_wait3A_253 = arith.constant 0 : i32
    %dma_wait3A_254 = arith.constant 0 : i32
    %dma_wait3A_255 = tpu.memref_slice %arg4[%select_n3A_202, %dma_wait3A_249, %select_n3A_218, %dma_wait3A_253, %dma_wait3A_254] : memref<50x8x32x8x128xf32, #tpu.memory_space<hbm>> -> memref<1x1x1x8x128xf32, #tpu.memory_space<hbm>>
    %dma_wait3A_256 = tpu.memref_squeeze %dma_wait3A_255 : memref<1x1x1x8x128xf32, #tpu.memory_space<hbm>> -> memref<8x128xf32, #tpu.memory_space<hbm>>
    %dma_wait3A_257 = arith.constant 0 : i32
    %dma_wait3A_258 = arith.constant 0 : i32
    %dma_wait3A_259 = tpu.memref_slice %arg4[%select_n3A_202, %dma_wait3A_249, %select_n3A_218, %dma_wait3A_257, %dma_wait3A_258] : memref<50x8x32x8x128xf32, #tpu.memory_space<hbm>> -> memref<1x1x1x8x128xf32, #tpu.memory_space<hbm>>
    %dma_wait3A_260 = tpu.memref_squeeze %dma_wait3A_259 : memref<1x1x1x8x128xf32, #tpu.memory_space<hbm>> -> memref<8x128xf32, #tpu.memory_space<hbm>>
    %dma_wait3A_261 = arith.constant 16 : i32
    %dma_wait3A_262 = arith.constant 0 : i32
    %dma_wait3A_263 = tpu.memref_slice %arg9[%dma_wait3A_261, %dma_wait3A_262] : memref<64x129xf32, #tpu.memory_space<vmem>> -> memref<8x128xf32, #tpu.memory_space<vmem>>
    tpu.wait_dma2 semaphore(%arg13 : memref<!tpu.dma_semaphore, #tpu.memory_space<semaphore_mem>>) src(%dma_wait3A_263 : memref<8x128xf32, #tpu.memory_space<vmem>>) dst(%dma_wait3A_260 : memref<8x128xf32, #tpu.memory_space<hbm>>)
    %dma_wait3A_264 = arith.constant 3 : i32
    %dma_wait3A_265 = arith.constant 24 : i32
    %dma_wait3A_266 = arith.constant 0 : i32
    %dma_wait3A_267 = tpu.memref_slice %arg9[%dma_wait3A_265, %dma_wait3A_266] : memref<64x129xf32, #tpu.memory_space<vmem>> -> memref<8x128xf32, #tpu.memory_space<vmem>>
    %dma_wait3A_268 = arith.constant 0 : i32
    %dma_wait3A_269 = arith.constant 0 : i32
    %dma_wait3A_270 = tpu.memref_slice %arg4[%select_n3A_202, %dma_wait3A_264, %select_n3A_218, %dma_wait3A_268, %dma_wait3A_269] : memref<50x8x32x8x128xf32, #tpu.memory_space<hbm>> -> memref<1x1x1x8x128xf32, #tpu.memory_space<hbm>>
    %dma_wait3A_271 = tpu.memref_squeeze %dma_wait3A_270 : memref<1x1x1x8x128xf32, #tpu.memory_space<hbm>> -> memref<8x128xf32, #tpu.memory_space<hbm>>
    %dma_wait3A_272 = arith.constant 0 : i32
    %dma_wait3A_273 = arith.constant 0 : i32
    %dma_wait3A_274 = tpu.memref_slice %arg4[%select_n3A_202, %dma_wait3A_264, %select_n3A_218, %dma_wait3A_272, %dma_wait3A_273] : memref<50x8x32x8x128xf32, #tpu.memory_space<hbm>> -> memref<1x1x1x8x128xf32, #tpu.memory_space<hbm>>
    %dma_wait3A_275 = tpu.memref_squeeze %dma_wait3A_274 : memref<1x1x1x8x128xf32, #tpu.memory_space<hbm>> -> memref<8x128xf32, #tpu.memory_space<hbm>>
    %dma_wait3A_276 = arith.constant 24 : i32
    %dma_wait3A_277 = arith.constant 0 : i32
    %dma_wait3A_278 = tpu.memref_slice %arg9[%dma_wait3A_276, %dma_wait3A_277] : memref<64x129xf32, #tpu.memory_space<vmem>> -> memref<8x128xf32, #tpu.memory_space<vmem>>
    tpu.wait_dma2 semaphore(%arg13 : memref<!tpu.dma_semaphore, #tpu.memory_space<semaphore_mem>>) src(%dma_wait3A_278 : memref<8x128xf32, #tpu.memory_space<vmem>>) dst(%dma_wait3A_275 : memref<8x128xf32, #tpu.memory_space<hbm>>)
    %dma_wait3A_279 = arith.constant 4 : i32
    %dma_wait3A_280 = arith.constant 32 : i32
    %dma_wait3A_281 = arith.constant 0 : i32
    %dma_wait3A_282 = tpu.memref_slice %arg9[%dma_wait3A_280, %dma_wait3A_281] : memref<64x129xf32, #tpu.memory_space<vmem>> -> memref<8x128xf32, #tpu.memory_space<vmem>>
    %dma_wait3A_283 = arith.constant 0 : i32
    %dma_wait3A_284 = arith.constant 0 : i32
    %dma_wait3A_285 = tpu.memref_slice %arg4[%select_n3A_202, %dma_wait3A_279, %select_n3A_218, %dma_wait3A_283, %dma_wait3A_284] : memref<50x8x32x8x128xf32, #tpu.memory_space<hbm>> -> memref<1x1x1x8x128xf32, #tpu.memory_space<hbm>>
    %dma_wait3A_286 = tpu.memref_squeeze %dma_wait3A_285 : memref<1x1x1x8x128xf32, #tpu.memory_space<hbm>> -> memref<8x128xf32, #tpu.memory_space<hbm>>
    %dma_wait3A_287 = arith.constant 0 : i32
    %dma_wait3A_288 = arith.constant 0 : i32
    %dma_wait3A_289 = tpu.memref_slice %arg4[%select_n3A_202, %dma_wait3A_279, %select_n3A_218, %dma_wait3A_287, %dma_wait3A_288] : memref<50x8x32x8x128xf32, #tpu.memory_space<hbm>> -> memref<1x1x1x8x128xf32, #tpu.memory_space<hbm>>
    %dma_wait3A_290 = tpu.memref_squeeze %dma_wait3A_289 : memref<1x1x1x8x128xf32, #tpu.memory_space<hbm>> -> memref<8x128xf32, #tpu.memory_space<hbm>>
    %dma_wait3A_291 = arith.constant 32 : i32
    %dma_wait3A_292 = arith.constant 0 : i32
    %dma_wait3A_293 = tpu.memref_slice %arg9[%dma_wait3A_291, %dma_wait3A_292] : memref<64x129xf32, #tpu.memory_space<vmem>> -> memref<8x128xf32, #tpu.memory_space<vmem>>
    tpu.wait_dma2 semaphore(%arg13 : memref<!tpu.dma_semaphore, #tpu.memory_space<semaphore_mem>>) src(%dma_wait3A_293 : memref<8x128xf32, #tpu.memory_space<vmem>>) dst(%dma_wait3A_290 : memref<8x128xf32, #tpu.memory_space<hbm>>)
    %dma_wait3A_294 = arith.constant 5 : i32
    %dma_wait3A_295 = arith.constant 40 : i32
    %dma_wait3A_296 = arith.constant 0 : i32
    %dma_wait3A_297 = tpu.memref_slice %arg9[%dma_wait3A_295, %dma_wait3A_296] : memref<64x129xf32, #tpu.memory_space<vmem>> -> memref<8x128xf32, #tpu.memory_space<vmem>>
    %dma_wait3A_298 = arith.constant 0 : i32
    %dma_wait3A_299 = arith.constant 0 : i32
    %dma_wait3A_300 = tpu.memref_slice %arg4[%select_n3A_202, %dma_wait3A_294, %select_n3A_218, %dma_wait3A_298, %dma_wait3A_299] : memref<50x8x32x8x128xf32, #tpu.memory_space<hbm>> -> memref<1x1x1x8x128xf32, #tpu.memory_space<hbm>>
    %dma_wait3A_301 = tpu.memref_squeeze %dma_wait3A_300 : memref<1x1x1x8x128xf32, #tpu.memory_space<hbm>> -> memref<8x128xf32, #tpu.memory_space<hbm>>
    %dma_wait3A_302 = arith.constant 0 : i32
    %dma_wait3A_303 = arith.constant 0 : i32
    %dma_wait3A_304 = tpu.memref_slice %arg4[%select_n3A_202, %dma_wait3A_294, %select_n3A_218, %dma_wait3A_302, %dma_wait3A_303] : memref<50x8x32x8x128xf32, #tpu.memory_space<hbm>> -> memref<1x1x1x8x128xf32, #tpu.memory_space<hbm>>
    %dma_wait3A_305 = tpu.memref_squeeze %dma_wait3A_304 : memref<1x1x1x8x128xf32, #tpu.memory_space<hbm>> -> memref<8x128xf32, #tpu.memory_space<hbm>>
    %dma_wait3A_306 = arith.constant 40 : i32
    %dma_wait3A_307 = arith.constant 0 : i32
    %dma_wait3A_308 = tpu.memref_slice %arg9[%dma_wait3A_306, %dma_wait3A_307] : memref<64x129xf32, #tpu.memory_space<vmem>> -> memref<8x128xf32, #tpu.memory_space<vmem>>
    tpu.wait_dma2 semaphore(%arg13 : memref<!tpu.dma_semaphore, #tpu.memory_space<semaphore_mem>>) src(%dma_wait3A_308 : memref<8x128xf32, #tpu.memory_space<vmem>>) dst(%dma_wait3A_305 : memref<8x128xf32, #tpu.memory_space<hbm>>)
    %dma_wait3A_309 = arith.constant 6 : i32
    %dma_wait3A_310 = arith.constant 48 : i32
    %dma_wait3A_311 = arith.constant 0 : i32
    %dma_wait3A_312 = tpu.memref_slice %arg9[%dma_wait3A_310, %dma_wait3A_311] : memref<64x129xf32, #tpu.memory_space<vmem>> -> memref<8x128xf32, #tpu.memory_space<vmem>>
    %dma_wait3A_313 = arith.constant 0 : i32
    %dma_wait3A_314 = arith.constant 0 : i32
    %dma_wait3A_315 = tpu.memref_slice %arg4[%select_n3A_202, %dma_wait3A_309, %select_n3A_218, %dma_wait3A_313, %dma_wait3A_314] : memref<50x8x32x8x128xf32, #tpu.memory_space<hbm>> -> memref<1x1x1x8x128xf32, #tpu.memory_space<hbm>>
    %dma_wait3A_316 = tpu.memref_squeeze %dma_wait3A_315 : memref<1x1x1x8x128xf32, #tpu.memory_space<hbm>> -> memref<8x128xf32, #tpu.memory_space<hbm>>
    %dma_wait3A_317 = arith.constant 0 : i32
    %dma_wait3A_318 = arith.constant 0 : i32
    %dma_wait3A_319 = tpu.memref_slice %arg4[%select_n3A_202, %dma_wait3A_309, %select_n3A_218, %dma_wait3A_317, %dma_wait3A_318] : memref<50x8x32x8x128xf32, #tpu.memory_space<hbm>> -> memref<1x1x1x8x128xf32, #tpu.memory_space<hbm>>
    %dma_wait3A_320 = tpu.memref_squeeze %dma_wait3A_319 : memref<1x1x1x8x128xf32, #tpu.memory_space<hbm>> -> memref<8x128xf32, #tpu.memory_space<hbm>>
    %dma_wait3A_321 = arith.constant 48 : i32
    %dma_wait3A_322 = arith.constant 0 : i32
    %dma_wait3A_323 = tpu.memref_slice %arg9[%dma_wait3A_321, %dma_wait3A_322] : memref<64x129xf32, #tpu.memory_space<vmem>> -> memref<8x128xf32, #tpu.memory_space<vmem>>
    tpu.wait_dma2 semaphore(%arg13 : memref<!tpu.dma_semaphore, #tpu.memory_space<semaphore_mem>>) src(%dma_wait3A_323 : memref<8x128xf32, #tpu.memory_space<vmem>>) dst(%dma_wait3A_320 : memref<8x128xf32, #tpu.memory_space<hbm>>)
    %dma_wait3A_324 = arith.constant 7 : i32
    %dma_wait3A_325 = arith.constant 56 : i32
    %dma_wait3A_326 = arith.constant 0 : i32
    %dma_wait3A_327 = tpu.memref_slice %arg9[%dma_wait3A_325, %dma_wait3A_326] : memref<64x129xf32, #tpu.memory_space<vmem>> -> memref<8x128xf32, #tpu.memory_space<vmem>>
    %dma_wait3A_328 = arith.constant 0 : i32
    %dma_wait3A_329 = arith.constant 0 : i32
    %dma_wait3A_330 = tpu.memref_slice %arg4[%select_n3A_202, %dma_wait3A_324, %select_n3A_218, %dma_wait3A_328, %dma_wait3A_329] : memref<50x8x32x8x128xf32, #tpu.memory_space<hbm>> -> memref<1x1x1x8x128xf32, #tpu.memory_space<hbm>>
    %dma_wait3A_331 = tpu.memref_squeeze %dma_wait3A_330 : memref<1x1x1x8x128xf32, #tpu.memory_space<hbm>> -> memref<8x128xf32, #tpu.memory_space<hbm>>
    %dma_wait3A_332 = arith.constant 0 : i32
    %dma_wait3A_333 = arith.constant 0 : i32
    %dma_wait3A_334 = tpu.memref_slice %arg4[%select_n3A_202, %dma_wait3A_324, %select_n3A_218, %dma_wait3A_332, %dma_wait3A_333] : memref<50x8x32x8x128xf32, #tpu.memory_space<hbm>> -> memref<1x1x1x8x128xf32, #tpu.memory_space<hbm>>
    %dma_wait3A_335 = tpu.memref_squeeze %dma_wait3A_334 : memref<1x1x1x8x128xf32, #tpu.memory_space<hbm>> -> memref<8x128xf32, #tpu.memory_space<hbm>>
    %dma_wait3A_336 = arith.constant 56 : i32
    %dma_wait3A_337 = arith.constant 0 : i32
    %dma_wait3A_338 = tpu.memref_slice %arg9[%dma_wait3A_336, %dma_wait3A_337] : memref<64x129xf32, #tpu.memory_space<vmem>> -> memref<8x128xf32, #tpu.memory_space<vmem>>
    tpu.wait_dma2 semaphore(%arg13 : memref<!tpu.dma_semaphore, #tpu.memory_space<semaphore_mem>>) src(%dma_wait3A_338 : memref<8x128xf32, #tpu.memory_space<vmem>>) dst(%dma_wait3A_335 : memref<8x128xf32, #tpu.memory_space<hbm>>)
    return
  }
}

</mosaic_0001>

<sc_bundles>
// kernel: kernel.3.cloned.1.call-start
scs
__scs_entry_jumppad:
0x0: {  	(pc) =	sbr.rel $0x88, $3  }
0x1: {  	(tag) =	ssettag $0x0;
	lr =	simm.s32 $0x1  }
0x2: {  	[smem:$0x3F9F] =	sst lr;
	_ =	strace $0xD0000000  }
0x3: {  	_ = 	snop  }
0x4: {  	_ = 	snop  }
0x5: {  	_ = 	snop  }
0x6: {  	_ = 	snop  }
0x7: {  	_ = 	snop  }
__scs_overlays_trampoline_lowered:
0x8: {  	[smem:$0x3FAE] =	sst s0  }
0x9: {  	[smem:$0x3FAF] =	sst s1  }
0xa: {  	[smem:$0x3FB0] =	sst s2  }
0xb: {  	[smem:$0x3FB1] =	sst s3  }
0xc: {  	[smem:$0x3FB2] =	sst s4  }
0xd: {  	[smem:$0x3FB3] =	sst s5  }
0xe: {  	[smem:$0x3FB4] =	sst s6  }
0xf: {  	[smem:$0x3FB5] =	sst s7  }
0x10: {  	[smem:$0x3FB6] =	sst s8  }
0x11: {  	[smem:$0x3FB7] =	sst s9;
	s0 =	simm.s32 @!p0 $0x0  }
0x12: {  	s1 =	sld [smem:$0x3F9D];
	s0 =	simm.s32 @p0 $0x1  }
0x13: {  	[smem:$0x3FB8] =	sst s0;
	s0 =	simm.s32 @!p1 $0x0  }
0x14: {  	s2 =	sld [smem:$0x3F9C];
	s0 =	simm.s32 @p1 $0x1  }
0x15: {  	[smem:$0x3FB9] =	sst s0;
	s0 =	simm.s32 @!p2 $0x0  }
0x16: {  	s3 =	sld [smem:$0x3FDB];
	s0 =	simm.s32 @p2 $0x1  }
0x17: {  	s4 =	simm.s32 $0x1BF5;
	[smem:$0x3FBB] =	sst s0  }
0x18: {  	s0 =	sld [smem:$0x3F9E];
	_ =	swait.ge [sflag:s4], $0x0  }
0x19: {  	s7 =	sld [smem:$0x3F9F]  }
0x1a: {  	s8 =	sadd.s32 $0xFFFFE003, lr  }
0x1b: {  	s9 =	sadd.s32 $0xFFFFFEF7, lr;
	s5 =	simm.s32 $0xFFFFFFFF;
	p2 =	slt.u32 s8, $0xFFFFF086  }
0x1c: {  	p1 =	slt.u32 s9, $0xF7A;
	s5 =	simm.s32 @!p2 $0x0  }
0x1d: {  	s5 =	simm.s32 @p1 $0x1;
	p0 =	seq.s32 s7, s2  }
0x1e: {  	s7 =	smul.u32 @!p0 $0xF7A, s2;
	p2 =	seq.s32 @!p0 s5, $0x0  }
0x1f: {  	s9 =	smul.u32 $0xF7A, s1;
	s8 =	simm.s32 @!p0 $0x1BF5;
	p2 =	por !p2, p0  }
0x20: {  	[sflag:s8] =	ssyncset.s32 @!p0 $0xFFFFF086;
	s6 =	sadd.s32 @!p0 s3, s7;
	s7 =	simm.s32 @!p0 $0x108  }
0x21: {  	s3 =	sadd.s32 s3, s9;
	s6 =	sadd.s32 @!p0 $0x88, s6;
	s7 =	simm.s32 @p2 $0x1082  }
0x22: {  	[simem:s7], [sflag:s8] =	dma.local @!p0 [hbm:s6], $0xF7A  }
0x23: {  	s9 =	sor.u32 $0xD0000000, s2;
	s6 =	simm.s32 $0x108;
	_ =	swait.ge @!p0 [sflag:s8], $0x0  }
0x24: {  	s3 =	sadd.s32 $0x88, s3;
	s6 =	simm.s32 @!p1 $0x1082;
	[sflag:s4] =	ssyncset.s32 $0xFFFFF086  }
0x25: {  	[simem:s6], [sflag:s4] =	dma.local [hbm:s3], $0xF7A  }
0x26: {  	[smem:$0x3F9F] =	sst s1;
	(tag) =	ssettag s2;
	_ =	strace s9  }
0x27: {  	s1 =	sld [smem:$0x3FAF]  }
0x28: {  	s2 =	sld [smem:$0x3FB0]  }
0x29: {  	s4 =	sld [smem:$0x3FB2]  }
0x2a: {  	p0 =	seq.s32 s5, $0x0;
	s5 =	sld [smem:$0x3FB3]  }
0x2b: {  	s6 =	sld [smem:$0x3FB4]  }
0x2c: {  	s7 =	sld [smem:$0x3FB5]  }
0x2d: {  	s3 =	simm.s32 $0x108;
	s8 =	sld [smem:$0x3FB6]  }
0x2e: {  	s3 =	simm.s32 @!p0 $0x1082;
	s9 =	sld [smem:$0x3FB7]  }
0x2f: {  	lr =	sadd.s32 s0, s3;
	s0 =	sld [smem:$0x3FAE]  }
0x30: {  	s3 =	sld [smem:$0x3FB1]  }
0x31: {  	[smem:$0x3FBA] =	sst s10  }
0x32: {  	s10 =	sld [smem:$0x3FB8];
	_ =	sdelay $0x3  }
0x33: {  	p0 =	seq.s32 s10, $0x1;
	s10 =	sld [smem:$0x3FBA];
	_ =	sdelay $0x3  }
0x34: {  	[smem:$0x3FBA] =	sst s10  }
0x35: {  	s10 =	sld [smem:$0x3FB9];
	_ =	sdelay $0x3  }
0x36: {  	p1 =	seq.s32 s10, $0x1;
	s10 =	sld [smem:$0x3FBA];
	_ =	sdelay $0x3  }
0x37: {  	[smem:$0x3FBA] =	sst s10  }
0x38: {  	s10 =	sld [smem:$0x3FBB]  }
0x39: {  	_ = 	snop;
	(pc) =	sbr.ind lr, $3  }
0x3a: {  	_ = 	snop  }
0x3b: {  	_ = 	snop  }
0x3c: {  	p2 =	seq.s32 s10, $0x1;
	s10 =	sld [smem:$0x3FBA]  }
0x3d: {  	_ =	shalt  }
0x3e: {  	_ =	shalt  }
0x3f: {  	_ =	shalt  }
0x40: {  	_ =	shalt  }
0x41: {  	_ =	shalt  }
0x42: {  	_ =	shalt  }
0x43: {  	_ =	shalt  }
0x44: {  	_ =	shalt  }
0x45: {  	_ =	shalt  }
0x46: {  	_ =	shalt  }
0x47: {  	_ =	shalt  }
0x48: {  	_ =	shalt  }
0x49: {  	_ =	shalt  }
0x4a: {  	_ =	shalt  }
0x4b: {  	_ =	shalt  }
0x4c: {  	_ =	shalt  }
0x4d: {  	_ =	shalt  }
0x4e: {  	_ =	shalt  }
0x4f: {  	_ =	shalt  }
0x50: {  	_ =	shalt  }
0x51: {  	_ =	shalt  }
0x52: {  	_ =	shalt  }
0x53: {  	_ =	shalt  }
0x54: {  	_ =	shalt  }
0x55: {  	_ =	shalt  }
0x56: {  	_ =	shalt  }
0x57: {  	_ =	shalt  }
0x58: {  	_ =	shalt  }
0x59: {  	_ =	shalt  }
0x5a: {  	_ =	shalt  }
0x5b: {  	_ =	shalt  }
0x5c: {  	_ =	shalt  }
0x5d: {  	_ =	shalt  }
0x5e: {  	_ =	shalt  }
0x5f: {  	_ =	shalt  }
0x60: {  	_ =	shalt  }
0x61: {  	_ =	shalt  }
0x62: {  	_ =	shalt  }
0x63: {  	_ =	shalt  }
0x64: {  	_ =	shalt  }
0x65: {  	_ =	shalt  }
0x66: {  	_ =	shalt  }
0x67: {  	_ =	shalt  }
0x68: {  	_ =	shalt  }
0x69: {  	_ =	shalt  }
0x6a: {  	_ =	shalt  }
0x6b: {  	_ =	shalt  }
0x6c: {  	_ =	shalt  }
0x6d: {  	_ =	shalt  }
0x6e: {  	_ =	shalt  }
0x6f: {  	_ =	shalt  }
0x70: {  	_ =	shalt  }
0x71: {  	_ =	shalt  }
0x72: {  	_ =	shalt  }
0x73: {  	_ =	shalt  }
0x74: {  	_ =	shalt  }
0x75: {  	_ =	shalt  }
0x76: {  	_ =	shalt  }
0x77: {  	_ =	shalt  }
0x78: {  	_ =	shalt  }
0x79: {  	_ =	shalt  }
0x7a: {  	_ =	shalt  }
0x7b: {  	_ =	shalt  }
0x7c: {  	_ =	shalt  }
0x7d: {  	_ =	shalt  }
0x7e: {  	_ =	shalt  }
0x7f: {  	_ =	shalt  }
0x80: {  	_ =	shalt  }
0x81: {  	_ =	shalt  }
0x82: {  	_ =	shalt  }
0x83: {  	_ =	shalt  }
0x84: {  	_ =	shalt  }
0x85: {  	_ =	shalt  }
0x86: {  	_ =	shalt  }
0x87: {  	_ =	shalt  }
.Lfunc_end0:
.L_simem_size_0:
called_computation_lowered:
.L_overlay_start_0:
0x88: {  	s2 =	sld [smem:$0x3FD9]  }
0x89: {  	s3 =	sld [smem:$0x3FFE];
	_ =	sdelay $0x1  }
0x8a: {  	s1 =	srdreg.scid  }
0x8b: {  	s0 =	sand.u32 $0x1, s1  }
0x8c: {  	s17 =	sshll.u32 s0, $0xA;
	s2 =	sadd.s32 s3, s2  }
0x8d: {  	s2 =	sadd.s32 s2, s17  }
0x8e: {  	[smem:$0x3FC6] =	sst s2  }
0x8f: {  	_ = 	snop  }
0x90: {  	s2 =	sld [smem:$0x3FD0];
	(tm) =	ssettm $0x1  }
0x91: {  	s18 =	sld [smem:$0x3FFB];
	_ =	sdelay $0x3  }
0x92: {  	_ =	strace s18  }
0x93: {  	s3 =	sld [smem:$0x3FFC];
	_ =	sdelay $0x3  }
0x94: {  	_ =	strace s3  }
0x95: {  	s3 =	sld [smem:$0x3FFD];
	_ =	sdelay $0x3  }
0x96: {  	_ =	strace s3  }
0x97: {  	_ =	strace $0x8FFFFFFF  }
0x98: {  	s19 =	sld [smem:$0x3FDB];
	_ =	sdelay $0x1  }
0x99: {  	s4 =	simm.s32 $_scs_section_size  }
0x9a: {  	s5 =	simm.s32 $_size__tile_overlayer_lowered;
	s6 =	simm.s32 $_tile_overlayer_lowered  }
0x9b: {  	s22 =	simm.s32 $0x1BFF;
	s21 =	sshll.u32 s6, $0x1;
	s3 =	sadd.s32 s4, s19  }
0x9c: {  	s7 =	simm.s32 $0x0;
	s20 =	sshll.u32 s5, $0x1;
	s5 =	sadd.s32 s21, s3  }
0x9d: {  	[timem:s7], [sflag:s22] =	dma.local [hbm:s5], s20  }
0x9e: {  	_ =	swait.ge [sflag:s22], s20  }
0x9f: {  	s4 =	ssub.s32 $0x0, s20;
	[sflag:s22] =	ssyncset.done $0x0  }
0xa0: {  	[sflag:s22] =	ssyncadd.s32 s4;
	_ =	sdelay $0x1  }
0xa1: {  	s23 =	simm.s32 $0x1B8B  }
0xa2: {  	_ =	swait.ge [sflag:s23], $0x1  }
0xa3: {  	[sflag:s23] =	ssyncset.done $0x0  }
0xa4: {  	s25 =	simm.s32 $0x1B8E;
	s24 =	sld [smem:$0x3FFE];
	[sflag:s23] =	ssyncadd.s32 $0xFFFFFFFF  }
0xa5: {  	s26 =	simm.s32 $execute0_lowered;
	[smem:$0x3FD2] =	sst s25  }
0xa6: {  	s5 =	sshll.u32 s26, $0x1;
	_ =	strace $0x80000046;
	[dreg:$0x1] =	wrdreg $0xFFFFFFFF  }
0xa7: {  	s28 =	simm.s32 $_size_execute0_lowered;
	s3 =	sadd.s32 s3, s5;
	[dreg:$0x0] =	wrdreg $0x0  }
0xa8: {  	s5 =	sshll.u32 s28, $0x1;
	[dreg:$0x2] =	wrdreg s3  }
0xa9: {  	[dreg:$0x3] =	wrdreg s5  }
0xaa: {  	[dreg:$0x4] =	wrdreg $0xC0  }
0xab: {  	_ =	task [dreg:s7], $0x5FFFF  }
0xac: {  	[dreg:$0x1] =	wrdreg $0xFFFFFFFF  }
0xad: {  	[dreg:$0x0] =	wrdreg $0x60  }
0xae: {  	[dreg:$0x2] =	wrdreg s24  }
0xaf: {  	[dreg:$0x3] =	wrdreg s2  }
0xb0: {  	[dreg:$0x4] =	wrdreg $0x9  }
0xb1: {  	_ =	task.clear_ibuf [dreg:s7], $0x5FFFF;
	_ =	strace $0x90000046  }
0xb2: {  	s29 =	simm.s32 $0x9;
	_ =	strace $0x80000048  }
0xb3: {  	_ =	swait.ge [sflag:s29], $0x1  }
0xb4: {  	[sflag:s29] =	ssyncadd.s32 $0xFFFFFFFF  }
0xb5: {  	_ =	strace $0x90000048  }
0xb6: {  	_ =	sfence  }
0xb7: {  	s30 =	sld [smem:$0x0];
	_ =	sdelay $0x2  }
0xb8: {  	s31 =	sshll.u32 s1, $0xD;
	s1 =	sshrl.u32 s1, $0x2  }
0xb9: {  	s3 =	sand.u32 $0x4000, s31;
	s1 =	sadd.s32 s1, s30  }
0xba: {  	s0 =	sor.u32 s3, s0;
	s1 =	sshll.u32 s1, $0x11  }
0xbb: {  	s0 =	sor.u32 s1, s0  }
0xbc: {  	s0 =	sadd.s32 $0x8F2B, s0  }
0xbd: {  	[sflag:s0] =	ssyncadd.remote.s32 $0x1  }
0xbe: {  	_ =	sfence.sel $0xFFFF  }
0xbf: {  	[dreg:$0x0] =	wrdreg $0xFFFFFFFF;
	(pc) =	sbr.abs _section_cstart, $3  }
0xc0: {  	[dreg:$0x1] =	wrdreg $0xFFFFFFFF  }
0xc1: {  	_ =	task.clear_ibuf [dreg:s7], $0x2FFFF;
	_ =	strace $0x9FFFFFFF  }
0xc2: {  	(tm) =	ssettm $0x7FFFFFFF  }
0xc3: {  	_ =	shalt  }
tec
execute0_lowered:
.L_overlay_start_1:
0x0: {  	(tag) =	ssettag $0x1  }
0x1: {  	s0 =	rddreg [dreg:$0x0];
	s1 =	srdreg.scid  }
0x2: {  	s3 =	stileid.u32;
	s2 =	rddreg [dreg:$0x1];
	s16 =	simm.s32 $0x80  }
0x3: {  	s19 =	simm.s32 $0x1;
	s20 =	simm.s32 $0x5900;
	s14 =	simm.s32 $0x4  }
0x4: {  	s15 =	simm.s32 $0x7B00;
	s18 =	simm.s32 $0x99D0;
	s21 =	simm.s32 $0x9A58  }
0x5: {  	s22 =	simm.s32 $0x9AE0;
	s23 =	simm.s32 $0x9B68;
	s24 =	simm.s32 $0x9BF0  }
0x6: {  	s25 =	simm.s32 $0x9C78;
	s1 =	sand.u32 $0x1, s1;
	s4 =	sshll.u32 s3, $0x1  }
0x7: {  	s3 =	simm.s32 $0x0;
	s8 =	sadd.s32 $0x2000, s2;
	s9 =	sadd.s32 $0x3000, s2  }
0x8: {  	s10 =	sadd.s32 $0x4000, s2;
	s11 =	sadd.s32 $0x5000, s2;
	s12 =	sadd.s32 $0x6000, s2  }
0x9: {  	s13 =	sadd.s32 $0x7000, s2;
	s5 =	sor.u32 s1, s4;
	s1 =	ssub.s32 $0x2, s1  }
0xa: {  	[smem:$0x7FF] =	sst s3;
	s6 =	smul.u32 $0x320, s5;
	s7 =	sshrl.u32 s1, $0x1  }
0xb: {  	v0 =	vlaneseq.u32;
	s4 =	sadd.s32 $0x6800, s0;
	_ =	strace $0x80000047;
	s1 =	ssub.s32 s1, s7  }
0xc: {  	v0 =	vmul.u32 $0x88, v0;
	s5 =	smul.u32 $0x32, s5;
	s0 =	sadd.s32 s6, s0;
	s31 =	smax.u32 s1, $0x1  }
0xd: {  	s7 =	sadd.s32 $0x1000, s2;
	s0 =	sadd.s32 $0x400, s0;
	[dreg:$0x4] =	wrdreg s31  }
0xe: {  	v1 =	vadd.s32 $0x880, v0;
	v2 =	vadd.s32 $0x1100, v0;
	v3 =	vadd.s32 $0x1980, v0;
	s6 =	simm.s32 $0x2;
	s1 =	simm.s32 $0x0;
	[dreg:$0x3] =	wrdreg s0  }
.LBB2_1:
0xf: {  	[dreg:$0x5] =	wrdreg s1  }
0x10: {  	s0 =	rddreg [dreg:$0x3];
	s30 =	simm.s32 $0x5  }
0x11: {  	[tilespmem:s3], [sflag:$0x5] =	stream.linear.gather [hbm4b:s0+s3], $0x1900, $0x38;
	[tilespmem:$0x9D00] =	vst v63  }
0x12: {  	_ =	swait.ge [sflag:s30], $0x1900  }
0x13: {  	[sflag:s30] =	ssyncset.done $0x0  }
0x14: {  	s31 =	simm.s32 $0x1900;
	s26 =	simm.s32 $0x0;
	[sflag:s30] =	ssyncadd.s32 $0xFFFFE700  }
0x15: {  	[tilespmem:s31], [sflag:$0x1] =	stream.indirect.gather [hbm4b:s4+s16], $0x40, s3, s16, $0xb8;
	[tilespmem:$0x9D00] =	vst v63  }
.LBB2_2:
0x16: {  	s28 =	sshllo.u32 s26, $0x1  }
0x17: {  	s0 =	sshll.u32 s28, $0x7  }
0x18: {  	s1 =	simm.s32 $0x3900;
	s0 =	sand.u32 $0x3FFFFF80, s0  }
0x19: {  	[tilespmem:s1], [sflag:$0x2] =	stream.indirect.gather [hbm4b:s4+s16], $0x40, s0, s16, $0xb8;
	[tilespmem:$0x9D00] =	vst v63  }
0x1a: {  	_ =	swait.ge [sflag:s19], $0x2000  }
0x1b: {  	p0 =	seq.s32 s26, $0x0;
	[sflag:s19] =	ssyncset.done $0x0  }
0x1c: {  	s0 =	simm.s32 @!p0 $0x3;
	[sflag:s19] =	ssyncadd.s32 $0xFFFFE000  }
0x1d: {  	_ =	swait.ge @!p0 [sflag:s0], $0x400  }
0x1e: {  	[sflag:s0] =	ssyncset.done @!p0 $0x0  }
0x1f: {  	[sflag:s0] =	ssyncadd.s32 @!p0 $0xFFFFFC00  }
0x20: {  	_ =	swait.ge @!p0 [sflag:s0], $0x400  }
0x21: {  	[sflag:s0] =	ssyncset.done @!p0 $0x0  }
0x22: {  	[sflag:s0] =	ssyncadd.s32 @!p0 $0xFFFFFC00  }
0x23: {  	_ =	swait.ge @!p0 [sflag:s0], $0x400  }
0x24: {  	[sflag:s0] =	ssyncset.done @!p0 $0x0  }
0x25: {  	[sflag:s0] =	ssyncadd.s32 @!p0 $0xFFFFFC00  }
0x26: {  	_ =	swait.ge @!p0 [sflag:s0], $0x400  }
0x27: {  	[sflag:s0] =	ssyncset.done @!p0 $0x0  }
0x28: {  	[sflag:s0] =	ssyncadd.s32 @!p0 $0xFFFFFC00  }
0x29: {  	_ =	swait.ge @!p0 [sflag:s0], $0x400  }
0x2a: {  	[sflag:s0] =	ssyncset.done @!p0 $0x0  }
0x2b: {  	[sflag:s0] =	ssyncadd.s32 @!p0 $0xFFFFFC00  }
0x2c: {  	_ =	swait.ge @!p0 [sflag:s0], $0x400  }
0x2d: {  	[sflag:s0] =	ssyncset.done @!p0 $0x0  }
0x2e: {  	[sflag:s0] =	ssyncadd.s32 @!p0 $0xFFFFFC00  }
0x2f: {  	_ =	swait.ge @!p0 [sflag:s0], $0x400  }
0x30: {  	[sflag:s0] =	ssyncset.done @!p0 $0x0  }
0x31: {  	[sflag:s0] =	ssyncadd.s32 @!p0 $0xFFFFFC00  }
0x32: {  	s17 =	simm.s32 $0x3;
	_ =	swait.ge @!p0 [sflag:s0], $0x400  }
0x33: {  	v4 =	vmov s17;
	s17 =	simm.s32 $0x0;
	[sflag:s0] =	ssyncset.done @!p0 $0x0  }
0x34: {  	s30 =	simm.s32 $0x1980;
	v5 =	vand.u32 $0x7F, v4;
	v4 =	vmov s17;
	s1 =	simm.s32 $0x1;
	[sflag:s0] =	ssyncadd.s32 @!p0 $0xFFFFFC00  }
0x35: {  	v8 =	vadd.s32 v0, v5;
	v6 =	vand.u32 $0x7C, v4;
	v4 =	vmov s1;
	v7 =	vld [tilespmem:s30+$0x40]  }
0x36: {  	v10 =	vadd.s32 v0, v6;
	v11 =	vand.u32 $0x7D, v4;
	v9 =	vld [tilespmem:s30+$0xFFFFFF80]  }
0x37: {  	s17 =	simm.s32 $0x2;
	v12 =	vadd.s32 v0, v11;
	v4 =	vld [tilespmem:s30+$0xFFFFFFC0]  }
0x38: {  	v13 =	vmov s17  }
0x39: {  	v13 =	vand.u32 $0x7E, v13  }
0x3a: {  	v15 =	vadd.s32 v0, v13;
	v14 =	vld [tilespmem:s30+$0x0];
	[tilespmem:v8+s20+$0x0] =	vst.idx.msk $0xffff, v7  }
0x3b: {  	v8 =	vadd.s32 v1, v5;
	[tilespmem:v10+s20+$0x0] =	vst.idx.msk $0xffff, v9;
	v7 =	vld [tilespmem:s30+$0x50]  }
0x3c: {  	v10 =	vadd.s32 v1, v6;
	[tilespmem:v12+s20+$0x0] =	vst.idx.msk $0xffff, v4;
	v9 =	vld [tilespmem:s30+$0xFFFFFF90]  }
0x3d: {  	v12 =	vadd.s32 v1, v11;
	v4 =	vld [tilespmem:s30+$0xFFFFFFD0];
	_ =	sdelay $0x1  }
0x3e: {  	[tilespmem:v15+s20+$0x0] =	vst.idx.msk $0xffff, v14  }
0x3f: {  	v16 =	vadd.s32 v1, v13;
	v15 =	vld [tilespmem:s30+$0x10];
	[tilespmem:v8+s20+$0x0] =	vst.idx.msk $0xffff, v7  }
0x40: {  	s1 =	simm.s32 $0x7;
	v14 =	vadd.s32 v2, v5;
	[tilespmem:v10+s20+$0x0] =	vst.idx.msk $0xffff, v9;
	v7 =	vld [tilespmem:s30+$0x60]  }
0x41: {  	v10 =	vadd.s32 v2, v6;
	v8 =	vmov s1;
	[tilespmem:v12+s20+$0x0] =	vst.idx.msk $0xffff, v4;
	v9 =	vld [tilespmem:s30+$0xFFFFFFA0]  }
0x42: {  	s29 =	simm.s32 $0x1A80;
	v17 =	vadd.s32 v2, v11;
	v8 =	vand.u32 $0x7F, v8;
	v12 =	vld [tilespmem:s30+$0xFFFFFFE0]  }
0x43: {  	s17 =	simm.s32 $0x4;
	v18 =	vld [tilespmem:s29+$0x40];
	v19 =	vadd.s32 v0, v8  }
0x44: {  	v4 =	vmov s17;
	s1 =	simm.s32 $0x5;
	[tilespmem:v16+s20+$0x0] =	vst.idx.msk $0xffff, v15  }
0x45: {  	v4 =	vand.u32 $0x7C, v4;
	v22 =	vmov s1;
	[tilespmem:v14+s20+$0x0] =	vst.idx.msk $0xffff, v7  }
0x46: {  	v20 =	vld [tilespmem:s29+$0xFFFFFF80];
	s17 =	simm.s32 $0x6;
	v21 =	vadd.s32 v0, v4;
	v7 =	vand.u32 $0x7D, v22;
	[tilespmem:v10+s20+$0x0] =	vst.idx.msk $0xffff, v9  }
0x47: {  	v14 =	vmov s17;
	v9 =	vld [tilespmem:s29+$0xFFFFFFC0];
	[tilespmem:v17+s20+$0x0] =	vst.idx.msk $0xffff, v12;
	v10 =	vadd.s32 v0, v7  }
0x48: {  	v16 =	vadd.s32 v3, v5;
	v12 =	vld [tilespmem:s30+$0x20];
	v5 =	vand.u32 $0x7E, v14;
	[tilespmem:v19+s20+$0x0] =	vst.idx.msk $0xffff, v18;
	v18 =	vadd.s32 v2, v13  }
0x49: {  	v14 =	vld [tilespmem:s29+$0x0];
	v63 =	vadd.s32 v0, v5  }
0x4a: {  	v15 =	vld [tilespmem:s30+$0x70]  }
0x4b: {  	[tilespmem:v21+s20+$0x0] =	vst.idx.msk $0xffff, v20;
	v20 =	vadd.s32 v1, v8;
	v19 =	vld [tilespmem:s29+$0x50]  }
0x4c: {  	v23 =	vadd.s32 v1, v4;
	v21 =	vld [tilespmem:s29+$0xFFFFFF90];
	[tilespmem:v10+s20+$0x0] =	vst.idx.msk $0xffff, v9  }
0x4d: {  	v25 =	vadd.s32 v3, v11;
	v24 =	vld [tilespmem:s30+$0xFFFFFFF0];
	[tilespmem:v18+s20+$0x0] =	vst.idx.msk $0xffff, v12  }
0x4e: {  	v18 =	vadd.s32 v1, v7;
	v17 =	vld [tilespmem:s29+$0xFFFFFFD0];
	[tilespmem:v63+s20+$0x0] =	vst.idx.msk $0xffff, v14  }
0x4f: {  	[tilespmem:v16+s20+$0x0] =	vst.idx.msk $0xffff, v15;
	v16 =	vadd.s32 v1, v5;
	v14 =	vld [tilespmem:s29+$0x10]  }
0x50: {  	v15 =	vadd.s32 v3, v13;
	[tilespmem:v20+s20+$0x0] =	vst.idx.msk $0xffff, v19;
	v10 =	vld [tilespmem:s30+$0x30]  }
0x51: {  	s31 =	sshll.u32 s26, $0x1;
	v12 =	vadd.s32 v2, v8;
	[tilespmem:v23+s20+$0x0] =	vst.idx.msk $0xffff, v21;
	v9 =	vld [tilespmem:s29+$0x60]  }
0x52: {  	s0 =	simm.s32 $0xC;
	s1 =	simm.s32 $0x8;
	s17 =	simm.s32 $0xB;
	v13 =	vadd.s32 v2, v4;
	[tilespmem:v25+s20+$0x0] =	vst.idx.msk $0xffff, v24;
	v11 =	vld [tilespmem:s29+$0xFFFFFFA0]  }
.LBB2_3:
0x53: {  	p1 =	slt.u32 s0, $0x7C;
	v19 =	vmov s17;
	[tilespmem:v18+s20+$0x0] =	vst.idx.msk $0xffff, v17;
	v17 =	vld [tilespmem:s30+$0xFFFFFFB0];
	v18 =	vadd.s32 v3, v6;
	v6 =	vmov v4;
	s30 =	smov.u32 s29  }
0x54: {  	v4 =	vmov s1;
	v21 =	vadd.s32 v2, v7;
	s29 =	sadd.s32 $0x100, s29;
	v19 =	vand.u32 $0x7F, v19;
	v20 =	vld [tilespmem:s30+$0xFFFFFFE0];
	[tilespmem:v16+s20+$0x0] =	vst.idx.msk $0xffff, v14  }
0x55: {  	s17 =	sadd.s32 $0x1, s1;
	v4 =	vand.u32 $0x7C, v4;
	v14 =	vld [tilespmem:s29+$0x40];
	v16 =	vadd.s32 v0, v19;
	[tilespmem:v15+s20+$0x0] =	vst.idx.msk $0xffff, v10  }
0x56: {  	v22 =	vmov s17;
	s17 =	sadd.s32 $0x2, s1;
	s1 =	smov.u32 s0;
	v15 =	vadd.s32 v0, v4;
	v10 =	vld [tilespmem:s29+$0xFFFFFF80];
	[tilespmem:v12+s20+$0x0] =	vst.idx.msk $0xffff, v9  }
0x57: {  	v9 =	vand.u32 $0x7D, v22;
	v12 =	vmov s17;
	[tilespmem:v13+s20+$0x0] =	vst.idx.msk $0xffff, v11;
	v11 =	vld [tilespmem:s30+$0x70];
	v13 =	vadd.s32 v3, v8;
	v8 =	vmovc v19  }
0x58: {  	v22 =	vadd.s32 v0, v9;
	v12 =	vand.u32 $0x7E, v12;
	v19 =	vld [tilespmem:s29+$0xFFFFFFC0];
	[tilespmem:v18+s20+$0x0] =	vst.idx.msk $0xffff, v17  }
0x59: {  	v24 =	vadd.s32 v0, v12;
	v23 =	vld [tilespmem:s29+$0x0];
	[tilespmem:v21+s20+$0x0] =	vst.idx.msk $0xffff, v20  }
0x5a: {  	v21 =	vadd.s32 v2, v5;
	[tilespmem:v16+s20+$0x0] =	vst.idx.msk $0xffff, v14;
	v20 =	vld [tilespmem:s30+$0x20]  }
0x5b: {  	[tilespmem:v15+s20+$0x0] =	vst.idx.msk $0xffff, v10;
	v10 =	vld [tilespmem:s29+$0x50];
	v15 =	vadd.s32 v1, v8  }
0x5c: {  	v26 =	vadd.s32 v1, v4;
	v25 =	vld [tilespmem:s29+$0xFFFFFF90];
	[tilespmem:v13+s20+$0x0] =	vst.idx.msk $0xffff, v11  }
0x5d: {  	[tilespmem:v22+s20+$0x0] =	vst.idx.msk $0xffff, v19;
	v19 =	vld [tilespmem:s30+$0xFFFFFFF0];
	v22 =	vadd.s32 v3, v7;
	v7 =	vmov v9  }
.Ltmp0:
0x5e: {  	v17 =	vld [tilespmem:s29+$0xFFFFFFD0];
	v18 =	vadd.s32 v1, v7;
	[tilespmem:v24+s20+$0x0] =	vst.idx.msk $0xffff, v23;
	(pc) =	sbr.rel @p1 .LBB2_3-.Ltmp0, $4  }
0x5f: {  	v16 =	vadd.s32 v1, v12;
	v14 =	vld [tilespmem:s29+$0x10];
	[tilespmem:v21+s20+$0x0] =	vst.idx.msk $0xffff, v20  }
0x60: {  	[tilespmem:v15+s20+$0x0] =	vst.idx.msk $0xffff, v10;
	v10 =	vld [tilespmem:s30+$0x30];
	v15 =	vadd.s32 v3, v5;
	v5 =	vmov v12  }
0x61: {  	v12 =	vadd.s32 v2, v8;
	[tilespmem:v26+s20+$0x0] =	vst.idx.msk $0xffff, v25;
	v9 =	vld [tilespmem:s29+$0x60]  }
0x62: {  	s0 =	sadd.s32 $0x4, s0;
	s17 =	sadd.s32 $0x3, s1;
	v13 =	vadd.s32 v2, v4;
	v11 =	vld [tilespmem:s29+$0xFFFFFFA0];
	[tilespmem:v22+s20+$0x0] =	vst.idx.msk $0xffff, v19  }
0x63: {  	_ =	sdelay $0x2  }
0x64: {  	v19 =	vmov s17  }
0x65: {  	s17 =	sadd.s32 $0x1, s1;
	[tilespmem:v18+s20+$0x0] =	vst.idx.msk $0xffff, v17;
	v30 =	vld [tilespmem:s30+$0xFFFFFFB0];
	v6 =	vadd.s32 v3, v6;
	s0 =	sadd.s32 $0x100, s29;
	v21 =	vmov s1;
	v31 =	vand.u32 $0x7F, v19  }
0x66: {  	s30 =	sadd.s32 $0x2, s1;
	v32 =	vmov s17;
	[tilespmem:v16+s20+$0x0] =	vst.idx.msk $0xffff, v14;
	v33 =	vld [tilespmem:s0+$0x40];
	v21 =	vand.u32 $0x7C, v21;
	v34 =	vadd.s32 v0, v31  }
0x67: {  	v20 =	vmov s30;
	v22 =	vld [tilespmem:s0+$0xFFFFFF80];
	v19 =	vand.u32 $0x7D, v32;
	[tilespmem:v15+s20+$0x0] =	vst.idx.msk $0xffff, v10;
	v39 =	vadd.s32 v0, v21  }
0x68: {  	v35 =	vld [tilespmem:s0+$0xFFFFFFC0];
	v20 =	vand.u32 $0x7E, v20;
	v36 =	vadd.s32 v0, v19;
	[tilespmem:v12+s20+$0x0] =	vst.idx.msk $0xffff, v9  }
0x69: {  	v37 =	vld [tilespmem:s0+$0x0];
	v38 =	vadd.s32 v0, v20;
	[tilespmem:v13+s20+$0x0] =	vst.idx.msk $0xffff, v11  }
0x6a: {  	v41 =	vadd.s32 v2, v7;
	v40 =	vld [tilespmem:s29+$0xFFFFFFE0];
	[tilespmem:v6+s20+$0x0] =	vst.idx.msk $0xffff, v30  }
0x6b: {  	v49 =	vadd.s32 v2, v5;
	v48 =	vld [tilespmem:s29+$0x20];
	[tilespmem:v34+s20+$0x0] =	vst.idx.msk $0xffff, v33  }
0x6c: {  	v43 =	vadd.s32 v1, v31;
	[tilespmem:v39+s20+$0x0] =	vst.idx.msk $0xffff, v22;
	v14 =	vld [tilespmem:s0+$0x50]  }
0x6d: {  	v47 =	vadd.s32 v1, v21;
	[tilespmem:v36+s20+$0x0] =	vst.idx.msk $0xffff, v35;
	v46 =	vld [tilespmem:s0+$0xFFFFFF90]  }
0x6e: {  	v44 =	vadd.s32 v1, v19;
	[tilespmem:v38+s20+$0x0] =	vst.idx.msk $0xffff, v37;
	v10 =	vld [tilespmem:s0+$0xFFFFFFD0]  }
0x6f: {  	v45 =	vadd.s32 v1, v20;
	[tilespmem:v41+s20+$0x0] =	vst.idx.msk $0xffff, v40;
	v9 =	vld [tilespmem:s0+$0x10]  }
0x70: {  	v8 =	vadd.s32 v3, v8;
	v42 =	vld [tilespmem:s29+$0x70];
	[tilespmem:v49+s20+$0x0] =	vst.idx.msk $0xffff, v48  }
0x71: {  	v5 =	vadd.s32 v3, v5;
	v13 =	vld [tilespmem:s29+$0x30];
	[tilespmem:v43+s20+$0x0] =	vst.idx.msk $0xffff, v14  }
0x72: {  	v52 =	vadd.s32 v2, v31;
	[tilespmem:v47+s20+$0x0] =	vst.idx.msk $0xffff, v46;
	v14 =	vld [tilespmem:s0+$0x60]  }
0x73: {  	v57 =	vadd.s32 v2, v21;
	[tilespmem:v44+s20+$0x0] =	vst.idx.msk $0xffff, v10;
	v56 =	vld [tilespmem:s0+$0xFFFFFFA0]  }
0x74: {  	v53 =	vadd.s32 v2, v19;
	[tilespmem:v45+s20+$0x0] =	vst.idx.msk $0xffff, v9;
	v10 =	vld [tilespmem:s0+$0xFFFFFFE0]  }
0x75: {  	v55 =	vadd.s32 v2, v20;
	[tilespmem:v8+s20+$0x0] =	vst.idx.msk $0xffff, v42;
	v54 =	vld [tilespmem:s0+$0x20]  }
0x76: {  	v4 =	vadd.s32 v3, v4;
	v58 =	vld [tilespmem:s29+$0xFFFFFFB0];
	[tilespmem:v5+s20+$0x0] =	vst.idx.msk $0xffff, v13  }
0x77: {  	v51 =	vadd.s32 v3, v7;
	v50 =	vld [tilespmem:s29+$0xFFFFFFF0];
	[tilespmem:v52+s20+$0x0] =	vst.idx.msk $0xffff, v14  }
0x78: {  	v60 =	vadd.s32 v3, v31;
	[tilespmem:v57+s20+$0x0] =	vst.idx.msk $0xffff, v56;
	v59 =	vld [tilespmem:s0+$0x70]  }
0x79: {  	v63 =	vadd.s32 v3, v21;
	[tilespmem:v53+s20+$0x0] =	vst.idx.msk $0xffff, v10;
	v5 =	vld [tilespmem:s0+$0xFFFFFFB0]  }
0x7a: {  	v61 =	vadd.s32 v3, v19;
	[tilespmem:v55+s20+$0x0] =	vst.idx.msk $0xffff, v54;
	v10 =	vld [tilespmem:s0+$0xFFFFFFF0]  }
0x7b: {  	v62 =	vadd.s32 v3, v20;
	[tilespmem:v4+s20+$0x0] =	vst.idx.msk $0xffff, v58;
	v6 =	vld [tilespmem:s0+$0x30]  }
0x7c: {  	s17 =	sadd.s32 s5, s31;
	[tilespmem:v51+s20+$0x0] =	vst.idx.msk $0xffff, v50  }
0x7d: {  	s29 =	sshll.u32 s17, $0xA;
	s0 =	sshll.u32 s17, $0x7;
	[tilespmem:v60+s20+$0x0] =	vst.idx.msk $0xffff, v59  }
0x7e: {  	s1 =	sand.u32 $0xFFF8000, s29;
	s0 =	sand.u32 $0xF00, s0;
	[tilespmem:v63+s20+$0x0] =	vst.idx.msk $0xffff, v5  }
0x7f: {  	s29 =	sor.u32 s0, s1;
	[tilespmem:v61+s20+$0x0] =	vst.idx.msk $0xffff, v10  }
0x80: {  	s0 =	sadd.s32 s2, s29;
	[tilespmem:v62+s20+$0x0] =	vst.idx.msk $0xffff, v6  }
0x81: {  	[hbm4b:s0+s3] =	stream.linear.scatter [tilespmem:s20], [sflag:$0x3], $0x80, $0x38;
	[tilespmem:$0x9D00] =	vst v63  }
0x82: {  	s31 =	simm.s32 $0x5988;
	s30 =	sadd.s32 $0x10, s0  }
0x83: {  	[hbm4b:s30+s3] =	stream.linear.scatter [tilespmem:s31], [sflag:$0x3], $0x80, $0x38;
	[tilespmem:$0x9D00] =	vst v63  }
0x84: {  	s30 =	sadd.s32 $0x20, s0;
	s31 =	simm.s32 $0x5A10  }
0x85: {  	[hbm4b:s30+s3] =	stream.linear.scatter [tilespmem:s31], [sflag:$0x3], $0x80, $0x38;
	[tilespmem:$0x9D00] =	vst v63  }
0x86: {  	s30 =	sadd.s32 $0x30, s0;
	s31 =	simm.s32 $0x5A98  }
0x87: {  	[hbm4b:s30+s3] =	stream.linear.scatter [tilespmem:s31], [sflag:$0x3], $0x80, $0x38;
	[tilespmem:$0x9D00] =	vst v63  }
0x88: {  	s30 =	sadd.s32 $0x40, s0;
	s31 =	simm.s32 $0x5B20  }
0x89: {  	[hbm4b:s30+s3] =	stream.linear.scatter [tilespmem:s31], [sflag:$0x3], $0x80, $0x38;
	[tilespmem:$0x9D00] =	vst v63  }
0x8a: {  	s30 =	sadd.s32 $0x50, s0;
	s31 =	simm.s32 $0x5BA8  }
0x8b: {  	[hbm4b:s30+s3] =	stream.linear.scatter [tilespmem:s31], [sflag:$0x3], $0x80, $0x38;
	[tilespmem:$0x9D00] =	vst v63  }
0x8c: {  	s17 =	sadd.s32 $0x60, s0;
	s30 =	simm.s32 $0x5C30  }
0x8d: {  	[hbm4b:s17+s3] =	stream.linear.scatter [tilespmem:s30], [sflag:$0x3], $0x80, $0x38;
	[tilespmem:$0x9D00] =	vst v63  }
0x8e: {  	s0 =	sadd.s32 $0x70, s0;
	s31 =	simm.s32 $0x5CB8  }
0x8f: {  	[hbm4b:s0+s3] =	stream.linear.scatter [tilespmem:s31], [sflag:$0x3], $0x80, $0x38;
	[tilespmem:$0x9D00] =	vst v63  }
0x90: {  	s17 =	simm.s32 $0x5D40;
	s0 =	sadd.s32 s29, s7  }
0x91: {  	[hbm4b:s0+s3] =	stream.linear.scatter [tilespmem:s17], [sflag:$0x3], $0x80, $0x38;
	[tilespmem:$0x9D00] =	vst v63  }
0x92: {  	s31 =	simm.s32 $0x5DC8;
	s30 =	sadd.s32 $0x10, s0  }
0x93: {  	[hbm4b:s30+s3] =	stream.linear.scatter [tilespmem:s31], [sflag:$0x3], $0x80, $0x38;
	[tilespmem:$0x9D00] =	vst v63  }
0x94: {  	s30 =	sadd.s32 $0x20, s0;
	s31 =	simm.s32 $0x5E50  }
0x95: {  	[hbm4b:s30+s3] =	stream.linear.scatter [tilespmem:s31], [sflag:$0x3], $0x80, $0x38;
	[tilespmem:$0x9D00] =	vst v63  }
0x96: {  	s30 =	sadd.s32 $0x30, s0;
	s31 =	simm.s32 $0x5ED8  }
0x97: {  	[hbm4b:s30+s3] =	stream.linear.scatter [tilespmem:s31], [sflag:$0x3], $0x80, $0x38;
	[tilespmem:$0x9D00] =	vst v63  }
0x98: {  	s30 =	sadd.s32 $0x40, s0;
	s31 =	simm.s32 $0x5F60  }
0x99: {  	[hbm4b:s30+s3] =	stream.linear.scatter [tilespmem:s31], [sflag:$0x3], $0x80, $0x38;
	[tilespmem:$0x9D00] =	vst v63  }
0x9a: {  	s30 =	sadd.s32 $0x50, s0;
	s31 =	simm.s32 $0x5FE8  }
0x9b: {  	[hbm4b:s30+s3] =	stream.linear.scatter [tilespmem:s31], [sflag:$0x3], $0x80, $0x38;
	[tilespmem:$0x9D00] =	vst v63  }
0x9c: {  	s17 =	sadd.s32 $0x60, s0;
	s30 =	simm.s32 $0x6070  }
0x9d: {  	[hbm4b:s17+s3] =	stream.linear.scatter [tilespmem:s30], [sflag:$0x3], $0x80, $0x38;
	[tilespmem:$0x9D00] =	vst v63  }
0x9e: {  	s0 =	sadd.s32 $0x70, s0;
	s31 =	simm.s32 $0x60F8  }
0x9f: {  	[hbm4b:s0+s3] =	stream.linear.scatter [tilespmem:s31], [sflag:$0x3], $0x80, $0x38;
	[tilespmem:$0x9D00] =	vst v63  }
0xa0: {  	s17 =	simm.s32 $0x6180;
	s0 =	sadd.s32 s29, s8  }
0xa1: {  	[hbm4b:s0+s3] =	stream.linear.scatter [tilespmem:s17], [sflag:$0x3], $0x80, $0x38;
	[tilespmem:$0x9D00] =	vst v63  }
0xa2: {  	s31 =	simm.s32 $0x6208;
	s30 =	sadd.s32 $0x10, s0  }
0xa3: {  	[hbm4b:s30+s3] =	stream.linear.scatter [tilespmem:s31], [sflag:$0x3], $0x80, $0x38;
	[tilespmem:$0x9D00] =	vst v63  }
0xa4: {  	s30 =	sadd.s32 $0x20, s0;
	s31 =	simm.s32 $0x6290  }
0xa5: {  	[hbm4b:s30+s3] =	stream.linear.scatter [tilespmem:s31], [sflag:$0x3], $0x80, $0x38;
	[tilespmem:$0x9D00] =	vst v63  }
0xa6: {  	s30 =	sadd.s32 $0x30, s0;
	s31 =	simm.s32 $0x6318  }
0xa7: {  	[hbm4b:s30+s3] =	stream.linear.scatter [tilespmem:s31], [sflag:$0x3], $0x80, $0x38;
	[tilespmem:$0x9D00] =	vst v63  }
0xa8: {  	s30 =	sadd.s32 $0x40, s0;
	s31 =	simm.s32 $0x63A0  }
0xa9: {  	[hbm4b:s30+s3] =	stream.linear.scatter [tilespmem:s31], [sflag:$0x3], $0x80, $0x38;
	[tilespmem:$0x9D00] =	vst v63  }
0xaa: {  	s30 =	sadd.s32 $0x50, s0;
	s31 =	simm.s32 $0x6428  }
0xab: {  	[hbm4b:s30+s3] =	stream.linear.scatter [tilespmem:s31], [sflag:$0x3], $0x80, $0x38;
	[tilespmem:$0x9D00] =	vst v63  }
0xac: {  	s17 =	sadd.s32 $0x60, s0;
	s30 =	simm.s32 $0x64B0  }
0xad: {  	[hbm4b:s17+s3] =	stream.linear.scatter [tilespmem:s30], [sflag:$0x3], $0x80, $0x38;
	[tilespmem:$0x9D00] =	vst v63  }
0xae: {  	s0 =	sadd.s32 $0x70, s0;
	s31 =	simm.s32 $0x6538  }
0xaf: {  	[hbm4b:s0+s3] =	stream.linear.scatter [tilespmem:s31], [sflag:$0x3], $0x80, $0x38;
	[tilespmem:$0x9D00] =	vst v63  }
0xb0: {  	s17 =	simm.s32 $0x65C0;
	s0 =	sadd.s32 s29, s9  }
0xb1: {  	[hbm4b:s0+s3] =	stream.linear.scatter [tilespmem:s17], [sflag:$0x3], $0x80, $0x38;
	[tilespmem:$0x9D00] =	vst v63  }
0xb2: {  	s31 =	simm.s32 $0x6648;
	s30 =	sadd.s32 $0x10, s0  }
0xb3: {  	[hbm4b:s30+s3] =	stream.linear.scatter [tilespmem:s31], [sflag:$0x3], $0x80, $0x38;
	[tilespmem:$0x9D00] =	vst v63  }
0xb4: {  	s30 =	sadd.s32 $0x20, s0;
	s31 =	simm.s32 $0x66D0  }
0xb5: {  	[hbm4b:s30+s3] =	stream.linear.scatter [tilespmem:s31], [sflag:$0x3], $0x80, $0x38;
	[tilespmem:$0x9D00] =	vst v63  }
0xb6: {  	s30 =	sadd.s32 $0x30, s0;
	s31 =	simm.s32 $0x6758  }
0xb7: {  	[hbm4b:s30+s3] =	stream.linear.scatter [tilespmem:s31], [sflag:$0x3], $0x80, $0x38;
	[tilespmem:$0x9D00] =	vst v63  }
0xb8: {  	s30 =	sadd.s32 $0x40, s0;
	s31 =	simm.s32 $0x67E0  }
0xb9: {  	[hbm4b:s30+s3] =	stream.linear.scatter [tilespmem:s31], [sflag:$0x3], $0x80, $0x38;
	[tilespmem:$0x9D00] =	vst v63  }
0xba: {  	s30 =	sadd.s32 $0x50, s0;
	s31 =	simm.s32 $0x6868  }
0xbb: {  	[hbm4b:s30+s3] =	stream.linear.scatter [tilespmem:s31], [sflag:$0x3], $0x80, $0x38;
	[tilespmem:$0x9D00] =	vst v63  }
0xbc: {  	s17 =	sadd.s32 $0x60, s0;
	s30 =	simm.s32 $0x68F0  }
0xbd: {  	[hbm4b:s17+s3] =	stream.linear.scatter [tilespmem:s30], [sflag:$0x3], $0x80, $0x38;
	[tilespmem:$0x9D00] =	vst v63  }
0xbe: {  	s0 =	sadd.s32 $0x70, s0;
	s31 =	simm.s32 $0x6978  }
0xbf: {  	[hbm4b:s0+s3] =	stream.linear.scatter [tilespmem:s31], [sflag:$0x3], $0x80, $0x38;
	[tilespmem:$0x9D00] =	vst v63  }
0xc0: {  	s17 =	simm.s32 $0x6A00;
	s0 =	sadd.s32 s29, s10  }
0xc1: {  	[hbm4b:s0+s3] =	stream.linear.scatter [tilespmem:s17], [sflag:$0x3], $0x80, $0x38;
	[tilespmem:$0x9D00] =	vst v63  }
0xc2: {  	s31 =	simm.s32 $0x6A88;
	s30 =	sadd.s32 $0x10, s0  }
0xc3: {  	[hbm4b:s30+s3] =	stream.linear.scatter [tilespmem:s31], [sflag:$0x3], $0x80, $0x38;
	[tilespmem:$0x9D00] =	vst v63  }
0xc4: {  	s30 =	sadd.s32 $0x20, s0;
	s31 =	simm.s32 $0x6B10  }
0xc5: {  	[hbm4b:s30+s3] =	stream.linear.scatter [tilespmem:s31], [sflag:$0x3], $0x80, $0x38;
	[tilespmem:$0x9D00] =	vst v63  }
0xc6: {  	s30 =	sadd.s32 $0x30, s0;
	s31 =	simm.s32 $0x6B98  }
0xc7: {  	[hbm4b:s30+s3] =	stream.linear.scatter [tilespmem:s31], [sflag:$0x3], $0x80, $0x38;
	[tilespmem:$0x9D00] =	vst v63  }
0xc8: {  	s30 =	sadd.s32 $0x40, s0;
	s31 =	simm.s32 $0x6C20  }
0xc9: {  	[hbm4b:s30+s3] =	stream.linear.scatter [tilespmem:s31], [sflag:$0x3], $0x80, $0x38;
	[tilespmem:$0x9D00] =	vst v63  }
0xca: {  	s30 =	sadd.s32 $0x50, s0;
	s31 =	simm.s32 $0x6CA8  }
0xcb: {  	[hbm4b:s30+s3] =	stream.linear.scatter [tilespmem:s31], [sflag:$0x3], $0x80, $0x38;
	[tilespmem:$0x9D00] =	vst v63  }
0xcc: {  	s17 =	sadd.s32 $0x60, s0;
	s30 =	simm.s32 $0x6D30  }
0xcd: {  	[hbm4b:s17+s3] =	stream.linear.scatter [tilespmem:s30], [sflag:$0x3], $0x80, $0x38;
	[tilespmem:$0x9D00] =	vst v63  }
0xce: {  	s0 =	sadd.s32 $0x70, s0;
	s31 =	simm.s32 $0x6DB8  }
0xcf: {  	[hbm4b:s0+s3] =	stream.linear.scatter [tilespmem:s31], [sflag:$0x3], $0x80, $0x38;
	[tilespmem:$0x9D00] =	vst v63  }
0xd0: {  	s17 =	simm.s32 $0x6E40;
	s0 =	sadd.s32 s29, s11  }
0xd1: {  	[hbm4b:s0+s3] =	stream.linear.scatter [tilespmem:s17], [sflag:$0x3], $0x80, $0x38;
	[tilespmem:$0x9D00] =	vst v63  }
0xd2: {  	s31 =	simm.s32 $0x6EC8;
	s30 =	sadd.s32 $0x10, s0  }
0xd3: {  	[hbm4b:s30+s3] =	stream.linear.scatter [tilespmem:s31], [sflag:$0x3], $0x80, $0x38;
	[tilespmem:$0x9D00] =	vst v63  }
0xd4: {  	s30 =	sadd.s32 $0x20, s0;
	s31 =	simm.s32 $0x6F50  }
0xd5: {  	[hbm4b:s30+s3] =	stream.linear.scatter [tilespmem:s31], [sflag:$0x3], $0x80, $0x38;
	[tilespmem:$0x9D00] =	vst v63  }
0xd6: {  	s30 =	sadd.s32 $0x30, s0;
	s31 =	simm.s32 $0x6FD8  }
0xd7: {  	[hbm4b:s30+s3] =	stream.linear.scatter [tilespmem:s31], [sflag:$0x3], $0x80, $0x38;
	[tilespmem:$0x9D00] =	vst v63  }
0xd8: {  	s30 =	sadd.s32 $0x40, s0;
	s31 =	simm.s32 $0x7060  }
0xd9: {  	[hbm4b:s30+s3] =	stream.linear.scatter [tilespmem:s31], [sflag:$0x3], $0x80, $0x38;
	[tilespmem:$0x9D00] =	vst v63  }
0xda: {  	s30 =	sadd.s32 $0x50, s0;
	s31 =	simm.s32 $0x70E8  }
0xdb: {  	[hbm4b:s30+s3] =	stream.linear.scatter [tilespmem:s31], [sflag:$0x3], $0x80, $0x38;
	[tilespmem:$0x9D00] =	vst v63  }
0xdc: {  	s17 =	sadd.s32 $0x60, s0;
	s30 =	simm.s32 $0x7170  }
0xdd: {  	[hbm4b:s17+s3] =	stream.linear.scatter [tilespmem:s30], [sflag:$0x3], $0x80, $0x38;
	[tilespmem:$0x9D00] =	vst v63  }
0xde: {  	s0 =	sadd.s32 $0x70, s0;
	s31 =	simm.s32 $0x71F8  }
0xdf: {  	[hbm4b:s0+s3] =	stream.linear.scatter [tilespmem:s31], [sflag:$0x3], $0x80, $0x38;
	[tilespmem:$0x9D00] =	vst v63  }
0xe0: {  	s17 =	simm.s32 $0x7280;
	s0 =	sadd.s32 s29, s12  }
0xe1: {  	[hbm4b:s0+s3] =	stream.linear.scatter [tilespmem:s17], [sflag:$0x3], $0x80, $0x38;
	[tilespmem:$0x9D00] =	vst v63  }
0xe2: {  	s31 =	simm.s32 $0x7308;
	s30 =	sadd.s32 $0x10, s0  }
0xe3: {  	[hbm4b:s30+s3] =	stream.linear.scatter [tilespmem:s31], [sflag:$0x3], $0x80, $0x38;
	[tilespmem:$0x9D00] =	vst v63  }
0xe4: {  	s30 =	sadd.s32 $0x20, s0;
	s31 =	simm.s32 $0x7390  }
0xe5: {  	[hbm4b:s30+s3] =	stream.linear.scatter [tilespmem:s31], [sflag:$0x3], $0x80, $0x38;
	[tilespmem:$0x9D00] =	vst v63  }
0xe6: {  	s30 =	sadd.s32 $0x30, s0;
	s31 =	simm.s32 $0x7418  }
0xe7: {  	[hbm4b:s30+s3] =	stream.linear.scatter [tilespmem:s31], [sflag:$0x3], $0x80, $0x38;
	[tilespmem:$0x9D00] =	vst v63  }
0xe8: {  	s30 =	sadd.s32 $0x40, s0;
	s31 =	simm.s32 $0x74A0  }
0xe9: {  	[hbm4b:s30+s3] =	stream.linear.scatter [tilespmem:s31], [sflag:$0x3], $0x80, $0x38;
	[tilespmem:$0x9D00] =	vst v63  }
0xea: {  	s30 =	sadd.s32 $0x50, s0;
	s31 =	simm.s32 $0x7528  }
0xeb: {  	[hbm4b:s30+s3] =	stream.linear.scatter [tilespmem:s31], [sflag:$0x3], $0x80, $0x38;
	[tilespmem:$0x9D00] =	vst v63  }
0xec: {  	s30 =	sadd.s32 $0x60, s0;
	s31 =	simm.s32 $0x75B0  }
0xed: {  	[hbm4b:s30+s3] =	stream.linear.scatter [tilespmem:s31], [sflag:$0x3], $0x80, $0x38;
	[tilespmem:$0x9D00] =	vst v63  }
0xee: {  	s17 =	simm.s32 $0x7638;
	s0 =	sadd.s32 $0x70, s0  }
0xef: {  	[hbm4b:s0+s3] =	stream.linear.scatter [tilespmem:s17], [sflag:$0x3], $0x80, $0x38;
	[tilespmem:$0x9D00] =	vst v63  }
0xf0: {  	s0 =	sadd.s32 s29, s13;
	s29 =	simm.s32 $0x76C0  }
0xf1: {  	[hbm4b:s0+s3] =	stream.linear.scatter [tilespmem:s29], [sflag:$0x3], $0x80, $0x38;
	[tilespmem:$0x9D00] =	vst v63  }
0xf2: {  	s31 =	simm.s32 $0x7748;
	s30 =	sadd.s32 $0x10, s0  }
0xf3: {  	[hbm4b:s30+s3] =	stream.linear.scatter [tilespmem:s31], [sflag:$0x3], $0x80, $0x38;
	[tilespmem:$0x9D00] =	vst v63  }
0xf4: {  	s17 =	sadd.s32 $0x20, s0;
	s29 =	simm.s32 $0x77D0  }
0xf5: {  	[hbm4b:s17+s3] =	stream.linear.scatter [tilespmem:s29], [sflag:$0x3], $0x80, $0x38;
	[tilespmem:$0x9D00] =	vst v63  }
0xf6: {  	s30 =	sadd.s32 $0x30, s0;
	s31 =	simm.s32 $0x7858  }
0xf7: {  	[hbm4b:s30+s3] =	stream.linear.scatter [tilespmem:s31], [sflag:$0x3], $0x80, $0x38;
	[tilespmem:$0x9D00] =	vst v63  }
0xf8: {  	s17 =	sadd.s32 $0x40, s0;
	s29 =	simm.s32 $0x78E0  }
0xf9: {  	[hbm4b:s17+s3] =	stream.linear.scatter [tilespmem:s29], [sflag:$0x3], $0x80, $0x38;
	[tilespmem:$0x9D00] =	vst v63  }
0xfa: {  	p1 =	sne.s32 s26, $0x18;
	s30 =	sadd.s32 $0x50, s0;
	s31 =	simm.s32 $0x7968  }
0xfb: {  	[hbm4b:s30+s3] =	stream.linear.scatter [tilespmem:s31], [sflag:$0x3], $0x80, $0x38;
	[tilespmem:$0x9D00] =	vst v63  }
.Ltmp1:
0xfc: {  	_ = 	snop;
	(pc) =	sbr.rel @p1 .LBB2_6-.Ltmp1, $4  }
0xfd: {  	s29 =	sadd.s32 $0x60, s0;
	s30 =	simm.s32 $0x79F0  }
0xfe: {  	[hbm4b:s29+s3] =	stream.linear.scatter [tilespmem:s30], [sflag:$0x3], $0x80, $0x38;
	[tilespmem:$0x9D00] =	vst v63  }
0xff: {  	s0 =	sadd.s32 $0x70, s0;
	s31 =	simm.s32 $0x7A78  }
0x100: {  	[hbm4b:s0+s3] =	stream.linear.scatter [tilespmem:s31], [sflag:$0x3], $0x80, $0x38;
	[tilespmem:$0x9D00] =	vst v63  }
.Ltmp2:
0x101: {  	(pc) =	sbr.rel .LBB2_7-.Ltmp2, $4  }
0x102: {  	_ = 	snop  }
0x103: {  	_ =	swait.ge [sflag:s6], $0x2000  }
0x104: {  	[sflag:s6] =	ssyncset.done $0x0  }
0x105: {  	[sflag:s6] =	ssyncadd.s32 $0xFFFFE000  }
.LBB2_6:
0x106: {  	s0 =	sshll.u32 s26, $0x8  }
0x107: {  	s0 =	sand.u32 $0x3FFFFF00, s0  }
.Ltmp3:
0x108: {  	s1 =	simm.s32 $0x1900;
	s0 =	sadd.s32 $0x100, s0;
	(pc) =	sbr.rel @p0 .LBB2_8-.Ltmp3, $4  }
0x109: {  	[tilespmem:s1], [sflag:$0x1] =	stream.indirect.gather [hbm4b:s4+s16], $0x40, s0, s16, $0xb8;
	[tilespmem:$0x9D00] =	vst v63  }
0x10a: {  	_ =	swait.ge [sflag:s6], $0x2000  }
0x10b: {  	[sflag:s6] =	ssyncset.done $0x0  }
0x10c: {  	[sflag:s6] =	ssyncadd.s32 $0xFFFFE000  }
.LBB2_7:
0x10d: {  	_ =	swait.ge [sflag:s14], $0x400  }
0x10e: {  	[sflag:s14] =	ssyncset.done $0x0  }
0x10f: {  	[sflag:s14] =	ssyncadd.s32 $0xFFFFFC00  }
0x110: {  	_ =	swait.ge [sflag:s14], $0x400  }
0x111: {  	[sflag:s14] =	ssyncset.done $0x0  }
0x112: {  	[sflag:s14] =	ssyncadd.s32 $0xFFFFFC00  }
0x113: {  	_ =	swait.ge [sflag:s14], $0x400  }
0x114: {  	[sflag:s14] =	ssyncset.done $0x0  }
0x115: {  	[sflag:s14] =	ssyncadd.s32 $0xFFFFFC00  }
0x116: {  	_ =	swait.ge [sflag:s14], $0x400  }
0x117: {  	[sflag:s14] =	ssyncset.done $0x0  }
0x118: {  	[sflag:s14] =	ssyncadd.s32 $0xFFFFFC00  }
0x119: {  	_ =	swait.ge [sflag:s14], $0x400  }
0x11a: {  	[sflag:s14] =	ssyncset.done $0x0  }
0x11b: {  	[sflag:s14] =	ssyncadd.s32 $0xFFFFFC00  }
0x11c: {  	_ =	swait.ge [sflag:s14], $0x400  }
0x11d: {  	[sflag:s14] =	ssyncset.done $0x0  }
0x11e: {  	[sflag:s14] =	ssyncadd.s32 $0xFFFFFC00  }
0x11f: {  	_ =	swait.ge [sflag:s14], $0x400  }
0x120: {  	[sflag:s14] =	ssyncset.done $0x0  }
0x121: {  	[sflag:s14] =	ssyncadd.s32 $0xFFFFFC00  }
0x122: {  	_ =	swait.ge [sflag:s14], $0x400  }
0x123: {  	[sflag:s14] =	ssyncset.done $0x0  }
0x124: {  	[sflag:s14] =	ssyncadd.s32 $0xFFFFFC00  }
.LBB2_8:
0x125: {  	s0 =	simm.s32 $0x3  }
0x126: {  	s31 =	simm.s32 $0x0;
	v4 =	vmov s0  }
0x127: {  	s30 =	simm.s32 $0x3980;
	v5 =	vand.u32 $0x7F, v4;
	v4 =	vmov s31  }
0x128: {  	s1 =	simm.s32 $0x1;
	v7 =	vld [tilespmem:s30+$0x40];
	v8 =	vadd.s32 v0, v5;
	v6 =	vand.u32 $0x7C, v4  }
0x129: {  	v9 =	vld [tilespmem:s30+$0xFFFFFF80];
	v4 =	vmov s1;
	v10 =	vadd.s32 v0, v6  }
0x12a: {  	s17 =	simm.s32 $0x2;
	v11 =	vand.u32 $0x7D, v4  }
0x12b: {  	v13 =	vmov s17;
	v4 =	vld [tilespmem:s30+$0xFFFFFFC0];
	v12 =	vadd.s32 v0, v11  }
0x12c: {  	v13 =	vand.u32 $0x7E, v13  }
0x12d: {  	v14 =	vld [tilespmem:s30+$0x0];
	v15 =	vadd.s32 v0, v13;
	[tilespmem:v8+s15+$0x0] =	vst.idx.msk $0xffff, v7  }
0x12e: {  	v8 =	vadd.s32 v1, v5;
	v7 =	vld [tilespmem:s30+$0x50];
	[tilespmem:v10+s15+$0x0] =	vst.idx.msk $0xffff, v9  }
0x12f: {  	v10 =	vadd.s32 v1, v6;
	v9 =	vld [tilespmem:s30+$0xFFFFFF90]  }
0x130: {  	[tilespmem:v12+s15+$0x0] =	vst.idx.msk $0xffff, v4  }
0x131: {  	v12 =	vadd.s32 v1, v11;
	v4 =	vld [tilespmem:s30+$0xFFFFFFD0]  }
0x132: {  	[tilespmem:v15+s15+$0x0] =	vst.idx.msk $0xffff, v14  }
0x133: {  	s31 =	simm.s32 $0x7;
	v16 =	vadd.s32 v1, v13;
	v15 =	vld [tilespmem:s30+$0x10];
	[tilespmem:v8+s15+$0x0] =	vst.idx.msk $0xffff, v7  }
0x134: {  	v14 =	vadd.s32 v2, v5;
	v8 =	vmov s31;
	v7 =	vld [tilespmem:s30+$0x60];
	[tilespmem:v10+s15+$0x0] =	vst.idx.msk $0xffff, v9  }
0x135: {  	s29 =	simm.s32 $0x3A80;
	v10 =	vadd.s32 v2, v6;
	v8 =	vand.u32 $0x7F, v8;
	v9 =	vld [tilespmem:s30+$0xFFFFFFA0]  }
0x136: {  	v18 =	vld [tilespmem:s29+$0x40];
	s1 =	simm.s32 $0x4;
	[tilespmem:v12+s15+$0x0] =	vst.idx.msk $0xffff, v4;
	v19 =	vadd.s32 v0, v8  }
0x137: {  	s17 =	simm.s32 $0x5;
	v17 =	vadd.s32 v2, v11;
	v4 =	vmov s1;
	v12 =	vld [tilespmem:s30+$0xFFFFFFE0]  }
0x138: {  	v22 =	vmov s17;
	s31 =	simm.s32 $0x6;
	[tilespmem:v16+s15+$0x0] =	vst.idx.msk $0xffff, v15;
	v4 =	vand.u32 $0x7C, v4  }
0x139: {  	v20 =	vld [tilespmem:s29+$0xFFFFFF80];
	v21 =	vadd.s32 v0, v4;
	[tilespmem:v14+s15+$0x0] =	vst.idx.msk $0xffff, v7;
	v7 =	vand.u32 $0x7D, v22;
	v14 =	vmov s31  }
0x13a: {  	v16 =	vadd.s32 v3, v5;
	[tilespmem:v10+s15+$0x0] =	vst.idx.msk $0xffff, v9;
	v9 =	vld [tilespmem:s29+$0xFFFFFFC0];
	v10 =	vadd.s32 v0, v7;
	v5 =	vand.u32 $0x7E, v14  }
0x13b: {  	v14 =	vld [tilespmem:s29+$0x0];
	[tilespmem:v19+s15+$0x0] =	vst.idx.msk $0xffff, v18;
	v63 =	vadd.s32 v0, v5  }
0x13c: {  	v18 =	vadd.s32 v2, v13;
	[tilespmem:v17+s15+$0x0] =	vst.idx.msk $0xffff, v12;
	v12 =	vld [tilespmem:s30+$0x20]  }
0x13d: {  	v15 =	vld [tilespmem:s30+$0x70]  }
0x13e: {  	v19 =	vld [tilespmem:s29+$0x50];
	[tilespmem:v21+s15+$0x0] =	vst.idx.msk $0xffff, v20;
	v20 =	vadd.s32 v1, v8  }
0x13f: {  	v23 =	vadd.s32 v1, v4;
	v21 =	vld [tilespmem:s29+$0xFFFFFF90];
	[tilespmem:v10+s15+$0x0] =	vst.idx.msk $0xffff, v9  }
0x140: {  	v25 =	vadd.s32 v3, v11;
	v24 =	vld [tilespmem:s30+$0xFFFFFFF0];
	[tilespmem:v63+s15+$0x0] =	vst.idx.msk $0xffff, v14  }
0x141: {  	v17 =	vld [tilespmem:s29+$0xFFFFFFD0];
	[tilespmem:v18+s15+$0x0] =	vst.idx.msk $0xffff, v12;
	v18 =	vadd.s32 v1, v7  }
0x142: {  	[tilespmem:v16+s15+$0x0] =	vst.idx.msk $0xffff, v15;
	v16 =	vadd.s32 v1, v5;
	v14 =	vld [tilespmem:s29+$0x10]  }
0x143: {  	v15 =	vadd.s32 v3, v13;
	[tilespmem:v20+s15+$0x0] =	vst.idx.msk $0xffff, v19;
	v11 =	vld [tilespmem:s30+$0x30]  }
0x144: {  	v12 =	vadd.s32 v2, v8;
	[tilespmem:v23+s15+$0x0] =	vst.idx.msk $0xffff, v21;
	v9 =	vld [tilespmem:s29+$0x60]  }
0x145: {  	s0 =	simm.s32 $0xC;
	s17 =	simm.s32 $0xB;
	s1 =	simm.s32 $0x8;
	v13 =	vadd.s32 v2, v4;
	[tilespmem:v25+s15+$0x0] =	vst.idx.msk $0xffff, v24;
	v10 =	vld [tilespmem:s29+$0xFFFFFFA0]  }
.LBB2_9:
0x146: {  	p0 =	slt.u32 s0, $0x7C;
	v19 =	vmov s17;
	[tilespmem:v18+s15+$0x0] =	vst.idx.msk $0xffff, v17;
	v17 =	vld [tilespmem:s30+$0xFFFFFFB0];
	v18 =	vadd.s32 v3, v6;
	v6 =	vmov v4;
	s30 =	smov.u32 s29  }
0x147: {  	v4 =	vmov s1;
	v21 =	vadd.s32 v2, v7;
	s29 =	sadd.s32 $0x100, s29;
	v19 =	vand.u32 $0x7F, v19;
	v20 =	vld [tilespmem:s30+$0xFFFFFFE0];
	[tilespmem:v16+s15+$0x0] =	vst.idx.msk $0xffff, v14  }
0x148: {  	s17 =	sadd.s32 $0x1, s1;
	v4 =	vand.u32 $0x7C, v4;
	v14 =	vld [tilespmem:s29+$0x40];
	v16 =	vadd.s32 v0, v19;
	[tilespmem:v15+s15+$0x0] =	vst.idx.msk $0xffff, v11  }
0x149: {  	v22 =	vmov s17;
	s17 =	sadd.s32 $0x2, s1;
	s1 =	smov.u32 s0;
	v15 =	vadd.s32 v0, v4;
	v11 =	vld [tilespmem:s29+$0xFFFFFF80];
	[tilespmem:v12+s15+$0x0] =	vst.idx.msk $0xffff, v9  }
0x14a: {  	v9 =	vand.u32 $0x7D, v22;
	v12 =	vmov s17;
	[tilespmem:v13+s15+$0x0] =	vst.idx.msk $0xffff, v10;
	v10 =	vld [tilespmem:s30+$0x70];
	v13 =	vadd.s32 v3, v8;
	v8 =	vmovc v19  }
0x14b: {  	v22 =	vadd.s32 v0, v9;
	v12 =	vand.u32 $0x7E, v12;
	v19 =	vld [tilespmem:s29+$0xFFFFFFC0];
	[tilespmem:v18+s15+$0x0] =	vst.idx.msk $0xffff, v17  }
0x14c: {  	v24 =	vadd.s32 v0, v12;
	v23 =	vld [tilespmem:s29+$0x0];
	[tilespmem:v21+s15+$0x0] =	vst.idx.msk $0xffff, v20  }
0x14d: {  	v21 =	vadd.s32 v2, v5;
	[tilespmem:v16+s15+$0x0] =	vst.idx.msk $0xffff, v14;
	v20 =	vld [tilespmem:s30+$0x20]  }
0x14e: {  	[tilespmem:v15+s15+$0x0] =	vst.idx.msk $0xffff, v11;
	v11 =	vld [tilespmem:s29+$0x50];
	v15 =	vadd.s32 v1, v8  }
0x14f: {  	v26 =	vadd.s32 v1, v4;
	v25 =	vld [tilespmem:s29+$0xFFFFFF90];
	[tilespmem:v13+s15+$0x0] =	vst.idx.msk $0xffff, v10  }
0x150: {  	[tilespmem:v22+s15+$0x0] =	vst.idx.msk $0xffff, v19;
	v19 =	vld [tilespmem:s30+$0xFFFFFFF0];
	v22 =	vadd.s32 v3, v7;
	v7 =	vmov v9  }
.Ltmp4:
0x151: {  	v17 =	vld [tilespmem:s29+$0xFFFFFFD0];
	v18 =	vadd.s32 v1, v7;
	[tilespmem:v24+s15+$0x0] =	vst.idx.msk $0xffff, v23;
	(pc) =	sbr.rel @p0 .LBB2_9-.Ltmp4, $4  }
0x152: {  	v16 =	vadd.s32 v1, v12;
	v14 =	vld [tilespmem:s29+$0x10];
	[tilespmem:v21+s15+$0x0] =	vst.idx.msk $0xffff, v20  }
0x153: {  	[tilespmem:v15+s15+$0x0] =	vst.idx.msk $0xffff, v11;
	v11 =	vld [tilespmem:s30+$0x30];
	v15 =	vadd.s32 v3, v5;
	v5 =	vmov v12  }
0x154: {  	v12 =	vadd.s32 v2, v8;
	[tilespmem:v26+s15+$0x0] =	vst.idx.msk $0xffff, v25;
	v9 =	vld [tilespmem:s29+$0x60]  }
0x155: {  	s0 =	sadd.s32 $0x4, s0;
	s17 =	sadd.s32 $0x3, s1;
	v13 =	vadd.s32 v2, v4;
	v10 =	vld [tilespmem:s29+$0xFFFFFFA0];
	[tilespmem:v22+s15+$0x0] =	vst.idx.msk $0xffff, v19  }
0x156: {  	_ =	sdelay $0x2  }
0x157: {  	v19 =	vmov s17  }
0x158: {  	s31 =	sadd.s32 $0x1, s1;
	[tilespmem:v18+s15+$0x0] =	vst.idx.msk $0xffff, v17;
	v30 =	vld [tilespmem:s30+$0xFFFFFFB0];
	v6 =	vadd.s32 v3, v6;
	s0 =	sadd.s32 $0x100, s29;
	v21 =	vmov s1;
	v31 =	vand.u32 $0x7F, v19  }
0x159: {  	v32 =	vmov s31;
	s31 =	sadd.s32 $0x2, s1;
	[tilespmem:v16+s15+$0x0] =	vst.idx.msk $0xffff, v14;
	v33 =	vld [tilespmem:s0+$0x40];
	v21 =	vand.u32 $0x7C, v21;
	v34 =	vadd.s32 v0, v31  }
0x15a: {  	v22 =	vld [tilespmem:s0+$0xFFFFFF80];
	v20 =	vmov s31;
	v19 =	vand.u32 $0x7D, v32;
	[tilespmem:v15+s15+$0x0] =	vst.idx.msk $0xffff, v11;
	v39 =	vadd.s32 v0, v21  }
0x15b: {  	v35 =	vld [tilespmem:s0+$0xFFFFFFC0];
	v36 =	vadd.s32 v0, v19;
	v20 =	vand.u32 $0x7E, v20;
	[tilespmem:v12+s15+$0x0] =	vst.idx.msk $0xffff, v9  }
0x15c: {  	v37 =	vld [tilespmem:s0+$0x0];
	v38 =	vadd.s32 v0, v20;
	[tilespmem:v13+s15+$0x0] =	vst.idx.msk $0xffff, v10  }
0x15d: {  	v41 =	vadd.s32 v2, v7;
	v40 =	vld [tilespmem:s29+$0xFFFFFFE0];
	[tilespmem:v6+s15+$0x0] =	vst.idx.msk $0xffff, v30  }
0x15e: {  	v49 =	vadd.s32 v2, v5;
	v48 =	vld [tilespmem:s29+$0x20];
	[tilespmem:v34+s15+$0x0] =	vst.idx.msk $0xffff, v33  }
0x15f: {  	v43 =	vadd.s32 v1, v31;
	[tilespmem:v39+s15+$0x0] =	vst.idx.msk $0xffff, v22;
	v14 =	vld [tilespmem:s0+$0x50]  }
0x160: {  	v47 =	vadd.s32 v1, v21;
	[tilespmem:v36+s15+$0x0] =	vst.idx.msk $0xffff, v35;
	v46 =	vld [tilespmem:s0+$0xFFFFFF90]  }
0x161: {  	v44 =	vadd.s32 v1, v19;
	v11 =	vld [tilespmem:s0+$0xFFFFFFD0];
	[tilespmem:v38+s15+$0x0] =	vst.idx.msk $0xffff, v37  }
0x162: {  	v45 =	vadd.s32 v1, v20;
	[tilespmem:v41+s15+$0x0] =	vst.idx.msk $0xffff, v40;
	v9 =	vld [tilespmem:s0+$0x10]  }
0x163: {  	v8 =	vadd.s32 v3, v8;
	v42 =	vld [tilespmem:s29+$0x70];
	[tilespmem:v49+s15+$0x0] =	vst.idx.msk $0xffff, v48  }
0x164: {  	v5 =	vadd.s32 v3, v5;
	v13 =	vld [tilespmem:s29+$0x30];
	[tilespmem:v43+s15+$0x0] =	vst.idx.msk $0xffff, v14  }
0x165: {  	v52 =	vadd.s32 v2, v31;
	[tilespmem:v47+s15+$0x0] =	vst.idx.msk $0xffff, v46;
	v14 =	vld [tilespmem:s0+$0x60]  }
0x166: {  	v57 =	vadd.s32 v2, v21;
	[tilespmem:v44+s15+$0x0] =	vst.idx.msk $0xffff, v11;
	v56 =	vld [tilespmem:s0+$0xFFFFFFA0]  }
0x167: {  	v53 =	vadd.s32 v2, v19;
	v11 =	vld [tilespmem:s0+$0xFFFFFFE0];
	[tilespmem:v45+s15+$0x0] =	vst.idx.msk $0xffff, v9  }
0x168: {  	v55 =	vadd.s32 v2, v20;
	[tilespmem:v8+s15+$0x0] =	vst.idx.msk $0xffff, v42;
	v54 =	vld [tilespmem:s0+$0x20]  }
0x169: {  	v4 =	vadd.s32 v3, v4;
	v58 =	vld [tilespmem:s29+$0xFFFFFFB0];
	[tilespmem:v5+s15+$0x0] =	vst.idx.msk $0xffff, v13  }
0x16a: {  	v51 =	vadd.s32 v3, v7;
	v50 =	vld [tilespmem:s29+$0xFFFFFFF0];
	[tilespmem:v52+s15+$0x0] =	vst.idx.msk $0xffff, v14  }
0x16b: {  	v60 =	vadd.s32 v3, v31;
	[tilespmem:v57+s15+$0x0] =	vst.idx.msk $0xffff, v56;
	v59 =	vld [tilespmem:s0+$0x70]  }
0x16c: {  	v63 =	vadd.s32 v3, v21;
	[tilespmem:v53+s15+$0x0] =	vst.idx.msk $0xffff, v11;
	v5 =	vld [tilespmem:s0+$0xFFFFFFB0]  }
0x16d: {  	v61 =	vadd.s32 v3, v19;
	v11 =	vld [tilespmem:s0+$0xFFFFFFF0];
	[tilespmem:v55+s15+$0x0] =	vst.idx.msk $0xffff, v54  }
0x16e: {  	v62 =	vadd.s32 v3, v20;
	[tilespmem:v4+s15+$0x0] =	vst.idx.msk $0xffff, v58;
	v6 =	vld [tilespmem:s0+$0x30]  }
0x16f: {  	s30 =	sadd.s32 s5, s28;
	[tilespmem:v51+s15+$0x0] =	vst.idx.msk $0xffff, v50  }
0x170: {  	s31 =	sshll.u32 s30, $0xA;
	s0 =	sshll.u32 s30, $0x7;
	[tilespmem:v60+s15+$0x0] =	vst.idx.msk $0xffff, v59  }
0x171: {  	s1 =	sand.u32 $0xFFF8000, s31;
	s0 =	sand.u32 $0xF80, s0;
	[tilespmem:v63+s15+$0x0] =	vst.idx.msk $0xffff, v5  }
0x172: {  	s28 =	sor.u32 s0, s1;
	[tilespmem:v61+s15+$0x0] =	vst.idx.msk $0xffff, v11  }
0x173: {  	s0 =	sadd.s32 s2, s28;
	[tilespmem:v62+s15+$0x0] =	vst.idx.msk $0xffff, v6  }
0x174: {  	[hbm4b:s0+s3] =	stream.linear.scatter [tilespmem:s15], [sflag:$0x4], $0x80, $0x38;
	[tilespmem:$0x9D00] =	vst v63  }
0x175: {  	s29 =	simm.s32 $0x7B88;
	s17 =	sadd.s32 $0x10, s0  }
0x176: {  	[hbm4b:s17+s3] =	stream.linear.scatter [tilespmem:s29], [sflag:$0x4], $0x80, $0x38;
	[tilespmem:$0x9D00] =	vst v63  }
0x177: {  	s31 =	simm.s32 $0x7C10;
	s30 =	sadd.s32 $0x20, s0  }
0x178: {  	[hbm4b:s30+s3] =	stream.linear.scatter [tilespmem:s31], [sflag:$0x4], $0x80, $0x38;
	[tilespmem:$0x9D00] =	vst v63  }
0x179: {  	s17 =	sadd.s32 $0x30, s0;
	s29 =	simm.s32 $0x7C98  }
0x17a: {  	[hbm4b:s17+s3] =	stream.linear.scatter [tilespmem:s29], [sflag:$0x4], $0x80, $0x38;
	[tilespmem:$0x9D00] =	vst v63  }
0x17b: {  	s30 =	sadd.s32 $0x40, s0;
	s31 =	simm.s32 $0x7D20  }
0x17c: {  	[hbm4b:s30+s3] =	stream.linear.scatter [tilespmem:s31], [sflag:$0x4], $0x80, $0x38;
	[tilespmem:$0x9D00] =	vst v63  }
0x17d: {  	s17 =	sadd.s32 $0x50, s0;
	s29 =	simm.s32 $0x7DA8  }
0x17e: {  	[hbm4b:s17+s3] =	stream.linear.scatter [tilespmem:s29], [sflag:$0x4], $0x80, $0x38;
	[tilespmem:$0x9D00] =	vst v63  }
0x17f: {  	s30 =	sadd.s32 $0x60, s0;
	s31 =	simm.s32 $0x7E30  }
0x180: {  	[hbm4b:s30+s3] =	stream.linear.scatter [tilespmem:s31], [sflag:$0x4], $0x80, $0x38;
	[tilespmem:$0x9D00] =	vst v63  }
0x181: {  	s0 =	sadd.s32 $0x70, s0;
	s17 =	simm.s32 $0x7EB8  }
0x182: {  	[hbm4b:s0+s3] =	stream.linear.scatter [tilespmem:s17], [sflag:$0x4], $0x80, $0x38;
	[tilespmem:$0x9D00] =	vst v63  }
0x183: {  	s29 =	simm.s32 $0x7F40;
	s0 =	sadd.s32 s28, s7  }
0x184: {  	[hbm4b:s0+s3] =	stream.linear.scatter [tilespmem:s29], [sflag:$0x4], $0x80, $0x38;
	[tilespmem:$0x9D00] =	vst v63  }
0x185: {  	s31 =	simm.s32 $0x7FC8;
	s30 =	sadd.s32 $0x10, s0  }
0x186: {  	[hbm4b:s30+s3] =	stream.linear.scatter [tilespmem:s31], [sflag:$0x4], $0x80, $0x38;
	[tilespmem:$0x9D00] =	vst v63  }
0x187: {  	s17 =	sadd.s32 $0x20, s0;
	s29 =	simm.s32 $0x8050  }
0x188: {  	[hbm4b:s17+s3] =	stream.linear.scatter [tilespmem:s29], [sflag:$0x4], $0x80, $0x38;
	[tilespmem:$0x9D00] =	vst v63  }
0x189: {  	s30 =	sadd.s32 $0x30, s0;
	s31 =	simm.s32 $0x80D8  }
0x18a: {  	[hbm4b:s30+s3] =	stream.linear.scatter [tilespmem:s31], [sflag:$0x4], $0x80, $0x38;
	[tilespmem:$0x9D00] =	vst v63  }
0x18b: {  	s17 =	sadd.s32 $0x40, s0;
	s29 =	simm.s32 $0x8160  }
0x18c: {  	[hbm4b:s17+s3] =	stream.linear.scatter [tilespmem:s29], [sflag:$0x4], $0x80, $0x38;
	[tilespmem:$0x9D00] =	vst v63  }
0x18d: {  	s30 =	sadd.s32 $0x50, s0;
	s31 =	simm.s32 $0x81E8  }
0x18e: {  	[hbm4b:s30+s3] =	stream.linear.scatter [tilespmem:s31], [sflag:$0x4], $0x80, $0x38;
	[tilespmem:$0x9D00] =	vst v63  }
0x18f: {  	s17 =	sadd.s32 $0x60, s0;
	s29 =	simm.s32 $0x8270  }
0x190: {  	[hbm4b:s17+s3] =	stream.linear.scatter [tilespmem:s29], [sflag:$0x4], $0x80, $0x38;
	[tilespmem:$0x9D00] =	vst v63  }
0x191: {  	s0 =	sadd.s32 $0x70, s0;
	s30 =	simm.s32 $0x82F8  }
0x192: {  	[hbm4b:s0+s3] =	stream.linear.scatter [tilespmem:s30], [sflag:$0x4], $0x80, $0x38;
	[tilespmem:$0x9D00] =	vst v63  }
0x193: {  	s31 =	simm.s32 $0x8380;
	s0 =	sadd.s32 s28, s8  }
0x194: {  	[hbm4b:s0+s3] =	stream.linear.scatter [tilespmem:s31], [sflag:$0x4], $0x80, $0x38;
	[tilespmem:$0x9D00] =	vst v63  }
0x195: {  	s29 =	simm.s32 $0x8408;
	s17 =	sadd.s32 $0x10, s0  }
0x196: {  	[hbm4b:s17+s3] =	stream.linear.scatter [tilespmem:s29], [sflag:$0x4], $0x80, $0x38;
	[tilespmem:$0x9D00] =	vst v63  }
0x197: {  	s30 =	sadd.s32 $0x20, s0;
	s31 =	simm.s32 $0x8490  }
0x198: {  	[hbm4b:s30+s3] =	stream.linear.scatter [tilespmem:s31], [sflag:$0x4], $0x80, $0x38;
	[tilespmem:$0x9D00] =	vst v63  }
0x199: {  	s17 =	sadd.s32 $0x30, s0;
	s29 =	simm.s32 $0x8518  }
0x19a: {  	[hbm4b:s17+s3] =	stream.linear.scatter [tilespmem:s29], [sflag:$0x4], $0x80, $0x38;
	[tilespmem:$0x9D00] =	vst v63  }
0x19b: {  	s30 =	sadd.s32 $0x40, s0;
	s31 =	simm.s32 $0x85A0  }
0x19c: {  	[hbm4b:s30+s3] =	stream.linear.scatter [tilespmem:s31], [sflag:$0x4], $0x80, $0x38;
	[tilespmem:$0x9D00] =	vst v63  }
0x19d: {  	s17 =	sadd.s32 $0x50, s0;
	s29 =	simm.s32 $0x8628  }
0x19e: {  	[hbm4b:s17+s3] =	stream.linear.scatter [tilespmem:s29], [sflag:$0x4], $0x80, $0x38;
	[tilespmem:$0x9D00] =	vst v63  }
0x19f: {  	s30 =	sadd.s32 $0x60, s0;
	s31 =	simm.s32 $0x86B0  }
0x1a0: {  	[hbm4b:s30+s3] =	stream.linear.scatter [tilespmem:s31], [sflag:$0x4], $0x80, $0x38;
	[tilespmem:$0x9D00] =	vst v63  }
0x1a1: {  	s0 =	sadd.s32 $0x70, s0;
	s17 =	simm.s32 $0x8738  }
0x1a2: {  	[hbm4b:s0+s3] =	stream.linear.scatter [tilespmem:s17], [sflag:$0x4], $0x80, $0x38;
	[tilespmem:$0x9D00] =	vst v63  }
0x1a3: {  	s29 =	simm.s32 $0x87C0;
	s0 =	sadd.s32 s28, s9  }
0x1a4: {  	[hbm4b:s0+s3] =	stream.linear.scatter [tilespmem:s29], [sflag:$0x4], $0x80, $0x38;
	[tilespmem:$0x9D00] =	vst v63  }
0x1a5: {  	s31 =	simm.s32 $0x8848;
	s30 =	sadd.s32 $0x10, s0  }
0x1a6: {  	[hbm4b:s30+s3] =	stream.linear.scatter [tilespmem:s31], [sflag:$0x4], $0x80, $0x38;
	[tilespmem:$0x9D00] =	vst v63  }
0x1a7: {  	s17 =	sadd.s32 $0x20, s0;
	s29 =	simm.s32 $0x88D0  }
0x1a8: {  	[hbm4b:s17+s3] =	stream.linear.scatter [tilespmem:s29], [sflag:$0x4], $0x80, $0x38;
	[tilespmem:$0x9D00] =	vst v63  }
0x1a9: {  	s30 =	sadd.s32 $0x30, s0;
	s31 =	simm.s32 $0x8958  }
0x1aa: {  	[hbm4b:s30+s3] =	stream.linear.scatter [tilespmem:s31], [sflag:$0x4], $0x80, $0x38;
	[tilespmem:$0x9D00] =	vst v63  }
0x1ab: {  	s17 =	sadd.s32 $0x40, s0;
	s29 =	simm.s32 $0x89E0  }
0x1ac: {  	[hbm4b:s17+s3] =	stream.linear.scatter [tilespmem:s29], [sflag:$0x4], $0x80, $0x38;
	[tilespmem:$0x9D00] =	vst v63  }
0x1ad: {  	s30 =	sadd.s32 $0x50, s0;
	s31 =	simm.s32 $0x8A68  }
0x1ae: {  	[hbm4b:s30+s3] =	stream.linear.scatter [tilespmem:s31], [sflag:$0x4], $0x80, $0x38;
	[tilespmem:$0x9D00] =	vst v63  }
0x1af: {  	s17 =	sadd.s32 $0x60, s0;
	s29 =	simm.s32 $0x8AF0  }
0x1b0: {  	[hbm4b:s17+s3] =	stream.linear.scatter [tilespmem:s29], [sflag:$0x4], $0x80, $0x38;
	[tilespmem:$0x9D00] =	vst v63  }
0x1b1: {  	s0 =	sadd.s32 $0x70, s0;
	s30 =	simm.s32 $0x8B78  }
0x1b2: {  	[hbm4b:s0+s3] =	stream.linear.scatter [tilespmem:s30], [sflag:$0x4], $0x80, $0x38;
	[tilespmem:$0x9D00] =	vst v63  }
0x1b3: {  	s31 =	simm.s32 $0x8C00;
	s0 =	sadd.s32 s28, s10  }
0x1b4: {  	[hbm4b:s0+s3] =	stream.linear.scatter [tilespmem:s31], [sflag:$0x4], $0x80, $0x38;
	[tilespmem:$0x9D00] =	vst v63  }
0x1b5: {  	s29 =	simm.s32 $0x8C88;
	s17 =	sadd.s32 $0x10, s0  }
0x1b6: {  	[hbm4b:s17+s3] =	stream.linear.scatter [tilespmem:s29], [sflag:$0x4], $0x80, $0x38;
	[tilespmem:$0x9D00] =	vst v63  }
0x1b7: {  	s30 =	sadd.s32 $0x20, s0;
	s31 =	simm.s32 $0x8D10  }
0x1b8: {  	[hbm4b:s30+s3] =	stream.linear.scatter [tilespmem:s31], [sflag:$0x4], $0x80, $0x38;
	[tilespmem:$0x9D00] =	vst v63  }
0x1b9: {  	s17 =	sadd.s32 $0x30, s0;
	s29 =	simm.s32 $0x8D98  }
0x1ba: {  	[hbm4b:s17+s3] =	stream.linear.scatter [tilespmem:s29], [sflag:$0x4], $0x80, $0x38;
	[tilespmem:$0x9D00] =	vst v63  }
0x1bb: {  	s30 =	sadd.s32 $0x40, s0;
	s31 =	simm.s32 $0x8E20  }
0x1bc: {  	[hbm4b:s30+s3] =	stream.linear.scatter [tilespmem:s31], [sflag:$0x4], $0x80, $0x38;
	[tilespmem:$0x9D00] =	vst v63  }
0x1bd: {  	s17 =	sadd.s32 $0x50, s0;
	s29 =	simm.s32 $0x8EA8  }
0x1be: {  	[hbm4b:s17+s3] =	stream.linear.scatter [tilespmem:s29], [sflag:$0x4], $0x80, $0x38;
	[tilespmem:$0x9D00] =	vst v63  }
0x1bf: {  	s30 =	sadd.s32 $0x60, s0;
	s31 =	simm.s32 $0x8F30  }
0x1c0: {  	[hbm4b:s30+s3] =	stream.linear.scatter [tilespmem:s31], [sflag:$0x4], $0x80, $0x38;
	[tilespmem:$0x9D00] =	vst v63  }
0x1c1: {  	s0 =	sadd.s32 $0x70, s0;
	s17 =	simm.s32 $0x8FB8  }
0x1c2: {  	[hbm4b:s0+s3] =	stream.linear.scatter [tilespmem:s17], [sflag:$0x4], $0x80, $0x38;
	[tilespmem:$0x9D00] =	vst v63  }
0x1c3: {  	s29 =	simm.s32 $0x9040;
	s0 =	sadd.s32 s28, s11  }
0x1c4: {  	[hbm4b:s0+s3] =	stream.linear.scatter [tilespmem:s29], [sflag:$0x4], $0x80, $0x38;
	[tilespmem:$0x9D00] =	vst v63  }
0x1c5: {  	s31 =	simm.s32 $0x90C8;
	s30 =	sadd.s32 $0x10, s0  }
0x1c6: {  	[hbm4b:s30+s3] =	stream.linear.scatter [tilespmem:s31], [sflag:$0x4], $0x80, $0x38;
	[tilespmem:$0x9D00] =	vst v63  }
0x1c7: {  	s17 =	sadd.s32 $0x20, s0;
	s29 =	simm.s32 $0x9150  }
0x1c8: {  	[hbm4b:s17+s3] =	stream.linear.scatter [tilespmem:s29], [sflag:$0x4], $0x80, $0x38;
	[tilespmem:$0x9D00] =	vst v63  }
0x1c9: {  	s30 =	sadd.s32 $0x30, s0;
	s31 =	simm.s32 $0x91D8  }
0x1ca: {  	[hbm4b:s30+s3] =	stream.linear.scatter [tilespmem:s31], [sflag:$0x4], $0x80, $0x38;
	[tilespmem:$0x9D00] =	vst v63  }
0x1cb: {  	s17 =	sadd.s32 $0x40, s0;
	s29 =	simm.s32 $0x9260  }
0x1cc: {  	[hbm4b:s17+s3] =	stream.linear.scatter [tilespmem:s29], [sflag:$0x4], $0x80, $0x38;
	[tilespmem:$0x9D00] =	vst v63  }
0x1cd: {  	s30 =	sadd.s32 $0x50, s0;
	s31 =	simm.s32 $0x92E8  }
0x1ce: {  	[hbm4b:s30+s3] =	stream.linear.scatter [tilespmem:s31], [sflag:$0x4], $0x80, $0x38;
	[tilespmem:$0x9D00] =	vst v63  }
0x1cf: {  	s17 =	sadd.s32 $0x60, s0;
	s29 =	simm.s32 $0x9370  }
0x1d0: {  	[hbm4b:s17+s3] =	stream.linear.scatter [tilespmem:s29], [sflag:$0x4], $0x80, $0x38;
	[tilespmem:$0x9D00] =	vst v63  }
0x1d1: {  	s0 =	sadd.s32 $0x70, s0;
	s30 =	simm.s32 $0x93F8  }
0x1d2: {  	[hbm4b:s0+s3] =	stream.linear.scatter [tilespmem:s30], [sflag:$0x4], $0x80, $0x38;
	[tilespmem:$0x9D00] =	vst v63  }
0x1d3: {  	s31 =	simm.s32 $0x9480;
	s0 =	sadd.s32 s28, s12  }
0x1d4: {  	[hbm4b:s0+s3] =	stream.linear.scatter [tilespmem:s31], [sflag:$0x4], $0x80, $0x38;
	[tilespmem:$0x9D00] =	vst v63  }
0x1d5: {  	s29 =	simm.s32 $0x9508;
	s17 =	sadd.s32 $0x10, s0  }
0x1d6: {  	[hbm4b:s17+s3] =	stream.linear.scatter [tilespmem:s29], [sflag:$0x4], $0x80, $0x38;
	[tilespmem:$0x9D00] =	vst v63  }
0x1d7: {  	s30 =	sadd.s32 $0x20, s0;
	s31 =	simm.s32 $0x9590  }
0x1d8: {  	[hbm4b:s30+s3] =	stream.linear.scatter [tilespmem:s31], [sflag:$0x4], $0x80, $0x38;
	[tilespmem:$0x9D00] =	vst v63  }
0x1d9: {  	s17 =	sadd.s32 $0x30, s0;
	s29 =	simm.s32 $0x9618  }
0x1da: {  	[hbm4b:s17+s3] =	stream.linear.scatter [tilespmem:s29], [sflag:$0x4], $0x80, $0x38;
	[tilespmem:$0x9D00] =	vst v63  }
0x1db: {  	s30 =	sadd.s32 $0x40, s0;
	s31 =	simm.s32 $0x96A0  }
0x1dc: {  	[hbm4b:s30+s3] =	stream.linear.scatter [tilespmem:s31], [sflag:$0x4], $0x80, $0x38;
	[tilespmem:$0x9D00] =	vst v63  }
0x1dd: {  	s17 =	sadd.s32 $0x50, s0;
	s29 =	simm.s32 $0x9728  }
0x1de: {  	[hbm4b:s17+s3] =	stream.linear.scatter [tilespmem:s29], [sflag:$0x4], $0x80, $0x38;
	[tilespmem:$0x9D00] =	vst v63  }
0x1df: {  	s30 =	sadd.s32 $0x60, s0;
	s31 =	simm.s32 $0x97B0  }
0x1e0: {  	[hbm4b:s30+s3] =	stream.linear.scatter [tilespmem:s31], [sflag:$0x4], $0x80, $0x38;
	[tilespmem:$0x9D00] =	vst v63  }
0x1e1: {  	s0 =	sadd.s32 $0x70, s0;
	s17 =	simm.s32 $0x9838  }
0x1e2: {  	[hbm4b:s0+s3] =	stream.linear.scatter [tilespmem:s17], [sflag:$0x4], $0x80, $0x38;
	[tilespmem:$0x9D00] =	vst v63  }
0x1e3: {  	s29 =	simm.s32 $0x98C0;
	s0 =	sadd.s32 s28, s13  }
0x1e4: {  	[hbm4b:s0+s3] =	stream.linear.scatter [tilespmem:s29], [sflag:$0x4], $0x80, $0x38;
	[tilespmem:$0x9D00] =	vst v63  }
0x1e5: {  	s31 =	simm.s32 $0x9948;
	s30 =	sadd.s32 $0x10, s0  }
0x1e6: {  	[hbm4b:s30+s3] =	stream.linear.scatter [tilespmem:s31], [sflag:$0x4], $0x80, $0x38;
	[tilespmem:$0x9D00] =	vst v63  }
0x1e7: {  	s17 =	sadd.s32 $0x20, s0  }
0x1e8: {  	[hbm4b:s17+s3] =	stream.linear.scatter [tilespmem:s18], [sflag:$0x4], $0x80, $0x38;
	[tilespmem:$0x9D00] =	vst v63  }
0x1e9: {  	s28 =	sadd.s32 $0x30, s0  }
0x1ea: {  	[hbm4b:s28+s3] =	stream.linear.scatter [tilespmem:s21], [sflag:$0x4], $0x80, $0x38;
	[tilespmem:$0x9D00] =	vst v63  }
0x1eb: {  	s26 =	sadd.s32 $0x1, s26;
	s29 =	sadd.s32 $0x40, s0  }
0x1ec: {  	[hbm4b:s29+s3] =	stream.linear.scatter [tilespmem:s22], [sflag:$0x4], $0x80, $0x38;
	[tilespmem:$0x9D00] =	vst v63  }
0x1ed: {  	p0 =	sne.s32 s26, $0x19;
	s30 =	sadd.s32 $0x50, s0  }
0x1ee: {  	[hbm4b:s30+s3] =	stream.linear.scatter [tilespmem:s23], [sflag:$0x4], $0x80, $0x38;
	[tilespmem:$0x9D00] =	vst v63  }
.Ltmp5:
0x1ef: {  	_ = 	snop;
	(pc) =	sbr.rel @p0 .LBB2_2-.Ltmp5, $4  }
0x1f0: {  	s31 =	sadd.s32 $0x60, s0  }
0x1f1: {  	[hbm4b:s31+s3] =	stream.linear.scatter [tilespmem:s24], [sflag:$0x4], $0x80, $0x38;
	[tilespmem:$0x9D00] =	vst v63  }
0x1f2: {  	s0 =	sadd.s32 $0x70, s0  }
0x1f3: {  	[hbm4b:s0+s3] =	stream.linear.scatter [tilespmem:s25], [sflag:$0x4], $0x80, $0x38;
	[tilespmem:$0x9D00] =	vst v63  }
0x1f4: {  	s0 =	simm.s32 $0x3  }
0x1f5: {  	_ =	swait.ge [sflag:s0], $0x400  }
0x1f6: {  	[sflag:s0] =	ssyncset.done $0x0  }
0x1f7: {  	[sflag:s0] =	ssyncadd.s32 $0xFFFFFC00  }
0x1f8: {  	_ =	swait.ge [sflag:s0], $0x400  }
0x1f9: {  	[sflag:s0] =	ssyncset.done $0x0  }
0x1fa: {  	[sflag:s0] =	ssyncadd.s32 $0xFFFFFC00  }
0x1fb: {  	_ =	swait.ge [sflag:s0], $0x400  }
0x1fc: {  	[sflag:s0] =	ssyncset.done $0x0  }
0x1fd: {  	[sflag:s0] =	ssyncadd.s32 $0xFFFFFC00  }
0x1fe: {  	_ =	swait.ge [sflag:s0], $0x400  }
0x1ff: {  	[sflag:s0] =	ssyncset.done $0x0  }
0x200: {  	[sflag:s0] =	ssyncadd.s32 $0xFFFFFC00  }
0x201: {  	_ =	swait.ge [sflag:s0], $0x400  }
0x202: {  	[sflag:s0] =	ssyncset.done $0x0  }
0x203: {  	[sflag:s0] =	ssyncadd.s32 $0xFFFFFC00  }
0x204: {  	_ =	swait.ge [sflag:s0], $0x400  }
0x205: {  	[sflag:s0] =	ssyncset.done $0x0  }
0x206: {  	[sflag:s0] =	ssyncadd.s32 $0xFFFFFC00  }
0x207: {  	_ =	swait.ge [sflag:s0], $0x400  }
0x208: {  	[sflag:s0] =	ssyncset.done $0x0  }
0x209: {  	[sflag:s0] =	ssyncadd.s32 $0xFFFFFC00  }
0x20a: {  	_ =	swait.ge [sflag:s0], $0x400  }
0x20b: {  	[sflag:s0] =	ssyncset.done $0x0  }
0x20c: {  	[sflag:s0] =	ssyncadd.s32 $0xFFFFFC00  }
0x20d: {  	_ =	swait.ge [sflag:s14], $0x400  }
0x20e: {  	[sflag:s14] =	ssyncset.done $0x0  }
0x20f: {  	[sflag:s14] =	ssyncadd.s32 $0xFFFFFC00  }
0x210: {  	_ =	swait.ge [sflag:s14], $0x400  }
0x211: {  	[sflag:s14] =	ssyncset.done $0x0  }
0x212: {  	[sflag:s14] =	ssyncadd.s32 $0xFFFFFC00  }
0x213: {  	_ =	swait.ge [sflag:s14], $0x400  }
0x214: {  	[sflag:s14] =	ssyncset.done $0x0  }
0x215: {  	[sflag:s14] =	ssyncadd.s32 $0xFFFFFC00  }
0x216: {  	_ =	swait.ge [sflag:s14], $0x400  }
0x217: {  	[sflag:s14] =	ssyncset.done $0x0  }
0x218: {  	[sflag:s14] =	ssyncadd.s32 $0xFFFFFC00  }
0x219: {  	_ =	swait.ge [sflag:s14], $0x400  }
0x21a: {  	[sflag:s14] =	ssyncset.done $0x0  }
0x21b: {  	[sflag:s14] =	ssyncadd.s32 $0xFFFFFC00  }
0x21c: {  	_ =	swait.ge [sflag:s14], $0x400  }
0x21d: {  	[sflag:s14] =	ssyncset.done $0x0  }
0x21e: {  	[sflag:s14] =	ssyncadd.s32 $0xFFFFFC00  }
0x21f: {  	_ =	swait.ge [sflag:s14], $0x400  }
0x220: {  	[sflag:s14] =	ssyncset.done $0x0  }
0x221: {  	[sflag:s14] =	ssyncadd.s32 $0xFFFFFC00  }
0x222: {  	_ =	swait.ge [sflag:s14], $0x400  }
0x223: {  	s1 =	rddreg [dreg:$0x5]  }
0x224: {  	s31 =	rddreg [dreg:$0x4];
	s1 =	sadd.s32 $0x1, s1  }
0x225: {  	p0 =	sne.s32 s1, s31  }
.Ltmp6:
0x226: {  	_ = 	snop;
	(pc) =	sbr.rel @p0 .LBB2_1-.Ltmp6, $3  }
0x227: {  	_ =	sdelay $0x1  }
0x228: {  	[sflag:s14] =	ssyncset.done $0x0  }
0x229: {  	[sflag:s14] =	ssyncadd.s32 $0xFFFFFC00  }
0x22a: {  	_ =	sfence.sel $0x180000  }
0x22b: {  	[bflag:$0x0] =	sbarrier.arrive $0xFFFF  }
0x22c: {  	_ =	strace $0x90000047  }
0x22d: {  	s0 =	stileid.u32;
	[bflag:$0x2] =	sbarrier.arrive $0xFFFF  }
0x22e: {  	p0 =	sne.s32 s0, $0x0;
	s0 =	rddreg [dreg:$0x2]  }
0x22f: {  	s0 =	sadd.s32 @!p0 $0x100000, s0  }
0x230: {  	[sflag:s0] =	ssyncadd.tile.s32 @!p0 $0x1;
	_ =	shalt  }
.Lfunc_end2:
_tile_overlayer_lowered:
.L_overlay_start_2:
0x231: {  	(tag) =	ssettag $0x2  }
0x232: {  	s0 =	rddreg [dreg:$0x0];
	s2 =	stileid.u32  }
0x233: {  	s1 =	rddreg [dreg:$0x1];
	p0 =	sne.s32 s2, $0x0  }
0x234: {  	s3 =	rddreg [dreg:$0x2];
	[bflag:$0x3] =	sbarrier.arrive $0xFFFF;
	s2 =	simm.s32 @!p0 $0x1C05  }
0x235: {  	[timem:s3], [sflag:s2] =	dma.local @!p0 [hbm:s0], s1  }
0x236: {  	s0 =	simm.s32 @!p0 $0x5  }
0x237: {  	_ =	swait.ge @!p0 [sflag:s0], s1  }
0x238: {  	s1 =	ssub.s32 @!p0 $0x0, s1;
	[sflag:s0] =	ssyncset.done @!p0 $0x0  }
0x239: {  	[sflag:s0] =	ssyncadd.s32 @!p0 s1  }
0x23a: {  	[bflag:$0x3] =	sbarrier.arrive $0xFFFF  }
0x23b: {  	_ =	shalt  }

</sc_bundles>
